<compile_context>
chip_gen: v7x
topology: tpu7x:2x2x1
jax: 0.10.2.dev20260603
libtpu: 0.0.44.dev20260713+nightly
codegen_flags: <defaults>
</compile_context>

<pallas_src>
import functools
import jax
import jax.numpy as jnp
from jax import lax
from jax.experimental import pallas as pl
from jax.experimental.pallas import tpu as pltpu
from jax.experimental.pallas import tpu_sc as plsc

B = 16384
D = 128
L = 16
NC = 2
NS = 16
HALF = B // 2
BPW = HALF // (NC * NS)
CHUNK = 64
NCHUNK = BPW // CHUNK
NG = CHUNK // L


def _sc_gather_half(h_base, uid_hbm, mid_hbm, gu_t, gm_t, mu_t, mm_t,
                    gu_o, gm_o, mu_o, mm_o,
                    idx_u, idx_m,
                    buf_gu, buf_gm, buf_mu, buf_mm, sem_g, sem_w):
    c = lax.axis_index("c")
    s = lax.axis_index("s")
    base = (s * NC + c) * BPW
    ids_base = h_base + base
    pltpu.sync_copy(uid_hbm.at[pl.ds(ids_base, BPW)], idx_u)
    pltpu.sync_copy(mid_hbm.at[pl.ds(ids_base, BPW)], idx_m)

    def issue_gathers(k, sel):
        iu = idx_u.at[pl.ds(k * CHUNK, CHUNK)]
        im = idx_m.at[pl.ds(k * CHUNK, CHUNK)]
        return [pltpu.async_copy(gu_t.at[iu], buf_gu[sel], sem_g),
                pltpu.async_copy(gm_t.at[im], buf_gm[sel], sem_g),
                pltpu.async_copy(mu_t.at[iu], buf_mu[sel], sem_g),
                pltpu.async_copy(mm_t.at[im], buf_mm[sel], sem_g)]

    pend_g = issue_gathers(0, 0)
    pend_w = []
    for k in range(NCHUNK):
        sel = k % 2
        if k + 1 < NCHUNK:
            for cp in pend_w:
                cp.wait()
            pend_w = []
            pend_g_next = issue_gathers(k + 1, 1 - sel)
        for cp in pend_g:
            cp.wait()
        if k + 1 < NCHUNK:
            pend_g = pend_g_next
        rows = pl.ds(base + k * CHUNK, CHUNK)
        pend_w.append(pltpu.async_copy(buf_gu[sel], gu_o.at[rows], sem_w))
        pend_w.append(pltpu.async_copy(buf_gm[sel], gm_o.at[rows], sem_w))
        pend_w.append(pltpu.async_copy(buf_mu[sel], mu_o.at[rows], sem_w))
        pend_w.append(pltpu.async_copy(buf_mm[sel], mm_o.at[rows], sem_w))

    for cp in pend_w:
        cp.wait()


@functools.partial(jax.jit, static_argnums=0)
def _sc_gather(h, user_ids, movie_ids, gu_t, gm_t, mu_t, mm_t):
    mesh = plsc.VectorSubcoreMesh(core_axis_name="c", subcore_axis_name="s",
                                  num_cores=NC, num_subcores=NS)
    row = jax.ShapeDtypeStruct((HALF, D), jnp.float32)
    dbuf = [pltpu.VMEM((CHUNK, D), jnp.float32)] * 2
    return pl.kernel(
        functools.partial(_sc_gather_half, h * HALF),
        out_type=[row, row, row, row],
        mesh=mesh,
        scratch_types=[
            pltpu.VMEM((BPW,), jnp.int32),
            pltpu.VMEM((BPW,), jnp.int32),
            dbuf, dbuf, dbuf, dbuf,
            pltpu.SemaphoreType.DMA,
            pltpu.SemaphoreType.DMA,
        ],
    )(user_ids, movie_ids, gu_t, gm_t, mu_t, mm_t)


BT = 4096


def _tc_dense_body(h, prev, gu, gm, mu, mm, w1t, b1, w2t, b2, woutt, bb, out):
    del h, prev
    h = jnp.concatenate([mu[...], mm[...]], axis=1)
    h1 = jnp.maximum(
        jnp.dot(h, w1t[...], preferred_element_type=jnp.float32)
        + b1[...], 0.0)
    h2 = jnp.maximum(
        jnp.dot(h1, w2t[...], preferred_element_type=jnp.float32)
        + b2[...], 0.0)
    cat = jnp.concatenate([gu[...] * gm[...], h2], axis=1)
    o = jnp.dot(cat, woutt[...], preferred_element_type=jnp.float32)
    out[...] = o[:, 0] + bb[0]


@functools.partial(jax.jit, static_argnums=0)
def _tc_dense(h, prev, gu, gm, mu, mm, w1t, b1, w2t, b2, woutt, bb):
    row_spec = pl.BlockSpec((BT, D), lambda i: (i, 0))

    def full(shape):
        return pl.BlockSpec(shape, lambda i: (0, 0))

    nblk = HALF // BT
    off = h * nblk
    grid = (nblk,)
    return pl.pallas_call(
        functools.partial(_tc_dense_body, h),
        grid=grid,
        in_specs=[pl.BlockSpec(memory_space=pl.ANY),
                  row_spec, row_spec, row_spec, row_spec,
                  full((2 * D, 64)), full((1, 64)),
                  full((64, D)), full((1, D)), full((2 * D, 1)),
                  pl.BlockSpec(memory_space=pltpu.SMEM)],
        out_specs=pl.BlockSpec((BT,), lambda i: (i + off,)),
        out_shape=jax.ShapeDtypeStruct((B,), jnp.float32),
        input_output_aliases={0: 0},
    )(prev, gu, gm, mu, mm, w1t, b1, w2t, b2, woutt, bb)


def kernel(user_ids, movie_ids, gmf_user_table, gmf_movie_table,
           mlp_user_table, mlp_movie_table, W1, b1, W2, b2, Wout, bout):
    w1t = W1.T
    w2t = W2.T
    woutt = Wout.T

    out = jnp.zeros((B,), jnp.float32)
    for h in range(2):
        gu, gm, mu, mm = _sc_gather(h, user_ids, movie_ids, gmf_user_table,
                                    gmf_movie_table, mlp_user_table,
                                    mlp_movie_table)
        out = _tc_dense(h, out, gu, gm, mu, mm, w1t, b1.reshape(1, -1),
                        w2t, b2.reshape(1, -1), woutt, bout)
    return out

# --- scband reference (transcript-rebuilt; emitter-appended) ---
"""Pipeline reference for scband-neu-mf-44616120270974 (READ-ONLY COPY).

The authoritative reference and input builder live on the scoring server;
editing this copy changes nothing except your own understanding.
"""

import jax, jax.numpy as jnp
import numpy as np

NUM_USERS = 100000
NUM_MOVIES = 100000
GMF_DIM = 128
MLP_DIM = 128
BATCH = 16384


def setup_inputs(seed: int = 0) -> dict:
    key = jax.random.key(seed)
    ks = jax.random.split(key, 12)
    user_ids = jax.random.randint(ks[0], (BATCH,), 0, NUM_USERS, dtype=jnp.int64 if jax.config.jax_enable_x64 else jnp.int32)
    movie_ids = jax.random.randint(ks[1], (BATCH,), 0, NUM_MOVIES, dtype=jnp.int64 if jax.config.jax_enable_x64 else jnp.int32)
    # embedding tables (std=0.01 per torch init)
    gmf_user_table = jax.random.normal(ks[2], (NUM_USERS, GMF_DIM), dtype=jnp.float32) * 0.01
    gmf_movie_table = jax.random.normal(ks[3], (NUM_MOVIES, GMF_DIM), dtype=jnp.float32) * 0.01
    mlp_user_table = jax.random.normal(ks[4], (NUM_USERS, MLP_DIM), dtype=jnp.float32) * 0.01
    mlp_movie_table = jax.random.normal(ks[5], (NUM_MOVIES, MLP_DIM), dtype=jnp.float32) * 0.01
    # MLP tower: Linear(2*MLP_DIM, 64) -> ReLU -> Linear(64, MLP_DIM) -> ReLU
    def lin_init(k, fan_out, fan_in):
        bound = 1.0 / np.sqrt(fan_in)
        kw, kb = jax.random.split(k)
        W = jax.random.uniform(kw, (fan_out, fan_in), minval=-bound, maxval=bound, dtype=jnp.float32)
        b = jax.random.uniform(kb, (fan_out,), minval=-bound, maxval=bound, dtype=jnp.float32)
        return W, b
    W1, b1 = lin_init(ks[6], 64, 2 * MLP_DIM)
    W2, b2 = lin_init(ks[7], MLP_DIM, 64)
    Wout, bout = lin_init(ks[8], 1, GMF_DIM + MLP_DIM)
    return {
        'user_ids': user_ids,
        'movie_ids': movie_ids,
        'gmf_user_table': gmf_user_table,
        'gmf_movie_table': gmf_movie_table,
        'mlp_user_table': mlp_user_table,
        'mlp_movie_table': mlp_movie_table,
        'W1': W1, 'b1': b1,
        'W2': W2, 'b2': b2,
        'Wout': Wout, 'bout': bout,
    }


def reference(user_ids, movie_ids, gmf_user_table, gmf_movie_table,
              mlp_user_table, mlp_movie_table, W1, b1, W2, b2, Wout, bout):
    # GMF branch: elementwise product of embeddings
    gmf_u = jnp.take(gmf_user_table, user_ids, axis=0)
    gmf_m = jnp.take(gmf_movie_table, movie_ids, axis=0)
    gmf_out = gmf_u * gmf_m
    # MLP branch: concat embeddings -> Linear/ReLU -> Linear/ReLU
    mlp_u = jnp.take(mlp_user_table, user_ids, axis=0)
    mlp_m = jnp.take(mlp_movie_table, movie_ids, axis=0)
    h = jnp.concatenate([mlp_u, mlp_m], axis=1)
    h = jax.nn.relu(h @ W1.T + b1)
    mlp_out = jax.nn.relu(h @ W2.T + b2)
    # Fusion + output layer
    cat = jnp.concatenate([gmf_out, mlp_out], axis=1)
    out = cat @ Wout.T + bout
    return jnp.squeeze(out, axis=-1)

if __name__ == "__main__":
    import jax
    _d = setup_inputs()
    print(jax.jit(kernel)(*tuple(_d.values())))

</pallas_src>

<mosaic_0001>
#map = affine_map<(d0, d1) -> (0)>
#map1 = affine_map<(d0, d1) -> (0, 0)>
module attributes {stable_mosaic.version = 14 : i64} {
  func.func @_sc_gather_half(%arg0: i32, %arg1: i32, %arg2: memref<16384xi32, #tpu.memory_space<hbm>>, %arg3: memref<16384xi32, #tpu.memory_space<hbm>>, %arg4: memref<100000x128xf32, #tpu.memory_space<hbm>>, %arg5: memref<100000x128xf32, #tpu.memory_space<hbm>>, %arg6: memref<100000x128xf32, #tpu.memory_space<hbm>>, %arg7: memref<100000x128xf32, #tpu.memory_space<hbm>>, %arg8: memref<8192x128xf32, #tpu.memory_space<hbm>>, %arg9: memref<8192x128xf32, #tpu.memory_space<hbm>>, %arg10: memref<8192x128xf32, #tpu.memory_space<hbm>>, %arg11: memref<8192x128xf32, #tpu.memory_space<hbm>>, %arg12: memref<256xi32, #tpu.memory_space<vmem>>, %arg13: memref<256xi32, #tpu.memory_space<vmem>>, %arg14: memref<64x128xf32, #tpu.memory_space<vmem>>, %arg15: memref<64x128xf32, #tpu.memory_space<vmem>>, %arg16: memref<64x128xf32, #tpu.memory_space<vmem>>, %arg17: memref<64x128xf32, #tpu.memory_space<vmem>>, %arg18: memref<64x128xf32, #tpu.memory_space<vmem>>, %arg19: memref<64x128xf32, #tpu.memory_space<vmem>>, %arg20: memref<64x128xf32, #tpu.memory_space<vmem>>, %arg21: memref<64x128xf32, #tpu.memory_space<vmem>>, %arg22: memref<!tpu.dma_semaphore, #tpu.memory_space<semaphore_mem>>, %arg23: memref<!tpu.dma_semaphore, #tpu.memory_space<semaphore_mem>>) attributes {dimension_semantics = [#tpu.dimension_semantics<core_parallel>, #tpu.dimension_semantics<subcore_parallel>], iteration_bounds = array<i64: 2, 16>, scalar_prefetch = 0 : i64, scratch_operands = 12 : i64, tpu.core_type = #tpu.core_type<sc_vector_subcore>, window_params = [{transform_indices = #map}, {transform_indices = #map}, {transform_indices = #map1}, {transform_indices = #map1}, {transform_indices = #map1}, {transform_indices = #map1}, {transform_indices = #map1}, {transform_indices = #map1}, {transform_indices = #map1}, {transform_indices = #map1}]} {
    %mul3A = arith.constant 2 : i32
    %mul3A_0 = arith.muli %arg1, %mul3A : i32
    %add3A = arith.addi %mul3A_0, %arg0 : i32
    %mul3A_1 = arith.constant 256 : i32
    %mul3A_2 = arith.muli %add3A, %mul3A_1 : i32
    %add3A_3 = arith.constant 0 : i32
    %add3A_4 = arith.addi %add3A_3, %mul3A_2 : i32
    "tpu.region"() ({
      %run_scoped3A = tpu.sem_alloc : memref<!tpu.dma_semaphore, #tpu.memory_space<semaphore_mem>>
      %dma_start3A_299 = tpu.memref_slice %arg2[%add3A_4] : memref<16384xi32, #tpu.memory_space<hbm>> -> memref<256xi32, #tpu.memory_space<hbm>>
      %dma_start3A_300 = tpu.memref_slice %arg2[%add3A_4] : memref<16384xi32, #tpu.memory_space<hbm>> -> memref<256xi32, #tpu.memory_space<hbm>>
      tpu.enqueue_dma source(%dma_start3A_300 : memref<256xi32, #tpu.memory_space<hbm>>) target(%arg12 : memref<256xi32, #tpu.memory_space<vmem>>) target_semaphore(%run_scoped3A : memref<!tpu.dma_semaphore, #tpu.memory_space<semaphore_mem>>)
      %dma_wait3A_301 = tpu.memref_slice %arg2[%add3A_4] : memref<16384xi32, #tpu.memory_space<hbm>> -> memref<256xi32, #tpu.memory_space<hbm>>
      %dma_wait3A_302 = tpu.memref_slice %arg2[%add3A_4] : memref<16384xi32, #tpu.memory_space<hbm>> -> memref<256xi32, #tpu.memory_space<hbm>>
      tpu.wait_dma2 semaphore(%run_scoped3A : memref<!tpu.dma_semaphore, #tpu.memory_space<semaphore_mem>>) src(%dma_wait3A_302 : memref<256xi32, #tpu.memory_space<hbm>>) dst(%arg12 : memref<256xi32, #tpu.memory_space<vmem>>)
      tpu.yield
    }) : () -> ()
    "tpu.region"() ({
      %run_scoped3A = tpu.sem_alloc : memref<!tpu.dma_semaphore, #tpu.memory_space<semaphore_mem>>
      %dma_start3A_299 = tpu.memref_slice %arg3[%add3A_4] : memref<16384xi32, #tpu.memory_space<hbm>> -> memref<256xi32, #tpu.memory_space<hbm>>
      %dma_start3A_300 = tpu.memref_slice %arg3[%add3A_4] : memref<16384xi32, #tpu.memory_space<hbm>> -> memref<256xi32, #tpu.memory_space<hbm>>
      tpu.enqueue_dma source(%dma_start3A_300 : memref<256xi32, #tpu.memory_space<hbm>>) target(%arg13 : memref<256xi32, #tpu.memory_space<vmem>>) target_semaphore(%run_scoped3A : memref<!tpu.dma_semaphore, #tpu.memory_space<semaphore_mem>>)
      %dma_wait3A_301 = tpu.memref_slice %arg3[%add3A_4] : memref<16384xi32, #tpu.memory_space<hbm>> -> memref<256xi32, #tpu.memory_space<hbm>>
      %dma_wait3A_302 = tpu.memref_slice %arg3[%add3A_4] : memref<16384xi32, #tpu.memory_space<hbm>> -> memref<256xi32, #tpu.memory_space<hbm>>
      tpu.wait_dma2 semaphore(%run_scoped3A : memref<!tpu.dma_semaphore, #tpu.memory_space<semaphore_mem>>) src(%dma_wait3A_302 : memref<256xi32, #tpu.memory_space<hbm>>) dst(%arg13 : memref<256xi32, #tpu.memory_space<vmem>>)
      tpu.yield
    }) : () -> ()
    %dma_start3A = arith.constant 0 : i32
    %dma_start3A_5 = tpu.memref_slice %arg12[%dma_start3A] : memref<256xi32, #tpu.memory_space<vmem>> -> memref<64xi32, #tpu.memory_space<vmem>>
    %dma_start3A_6 = arith.constant 0 : i32
    %dma_start3A_7 = arith.constant 0 : i32
    %dma_start3A_8 = tpu.memref_slice %arg4[%dma_start3A_6, %dma_start3A_7] : memref<100000x128xf32, #tpu.memory_space<hbm>> -> memref<100000x128xf32, #tpu.memory_space<hbm>>
    tpu.enqueue_indirect_dma source(%dma_start3A_8 : memref<100000x128xf32, #tpu.memory_space<hbm>>) target(%arg14 : memref<64x128xf32, #tpu.memory_space<vmem>>) offsets(%dma_start3A_5 : memref<64xi32, #tpu.memory_space<vmem>>) semaphore(%arg22 : memref<!tpu.dma_semaphore, #tpu.memory_space<semaphore_mem>>)
    %dma_start3A_9 = arith.constant 0 : i32
    %dma_start3A_10 = tpu.memref_slice %arg13[%dma_start3A_9] : memref<256xi32, #tpu.memory_space<vmem>> -> memref<64xi32, #tpu.memory_space<vmem>>
    %dma_start3A_11 = arith.constant 0 : i32
    %dma_start3A_12 = arith.constant 0 : i32
    %dma_start3A_13 = tpu.memref_slice %arg5[%dma_start3A_11, %dma_start3A_12] : memref<100000x128xf32, #tpu.memory_space<hbm>> -> memref<100000x128xf32, #tpu.memory_space<hbm>>
    tpu.enqueue_indirect_dma source(%dma_start3A_13 : memref<100000x128xf32, #tpu.memory_space<hbm>>) target(%arg16 : memref<64x128xf32, #tpu.memory_space<vmem>>) offsets(%dma_start3A_10 : memref<64xi32, #tpu.memory_space<vmem>>) semaphore(%arg22 : memref<!tpu.dma_semaphore, #tpu.memory_space<semaphore_mem>>)
    %dma_start3A_14 = arith.constant 0 : i32
    %dma_start3A_15 = tpu.memref_slice %arg12[%dma_start3A_14] : memref<256xi32, #tpu.memory_space<vmem>> -> memref<64xi32, #tpu.memory_space<vmem>>
    %dma_start3A_16 = arith.constant 0 : i32
    %dma_start3A_17 = arith.constant 0 : i32
    %dma_start3A_18 = tpu.memref_slice %arg6[%dma_start3A_16, %dma_start3A_17] : memref<100000x128xf32, #tpu.memory_space<hbm>> -> memref<100000x128xf32, #tpu.memory_space<hbm>>
    tpu.enqueue_indirect_dma source(%dma_start3A_18 : memref<100000x128xf32, #tpu.memory_space<hbm>>) target(%arg18 : memref<64x128xf32, #tpu.memory_space<vmem>>) offsets(%dma_start3A_15 : memref<64xi32, #tpu.memory_space<vmem>>) semaphore(%arg22 : memref<!tpu.dma_semaphore, #tpu.memory_space<semaphore_mem>>)
    %dma_start3A_19 = arith.constant 0 : i32
    %dma_start3A_20 = tpu.memref_slice %arg13[%dma_start3A_19] : memref<256xi32, #tpu.memory_space<vmem>> -> memref<64xi32, #tpu.memory_space<vmem>>
    %dma_start3A_21 = arith.constant 0 : i32
    %dma_start3A_22 = arith.constant 0 : i32
    %dma_start3A_23 = tpu.memref_slice %arg7[%dma_start3A_21, %dma_start3A_22] : memref<100000x128xf32, #tpu.memory_space<hbm>> -> memref<100000x128xf32, #tpu.memory_space<hbm>>
    tpu.enqueue_indirect_dma source(%dma_start3A_23 : memref<100000x128xf32, #tpu.memory_space<hbm>>) target(%arg20 : memref<64x128xf32, #tpu.memory_space<vmem>>) offsets(%dma_start3A_20 : memref<64xi32, #tpu.memory_space<vmem>>) semaphore(%arg22 : memref<!tpu.dma_semaphore, #tpu.memory_space<semaphore_mem>>)
    %dma_start3A_24 = arith.constant 64 : i32
    %dma_start3A_25 = tpu.memref_slice %arg12[%dma_start3A_24] : memref<256xi32, #tpu.memory_space<vmem>> -> memref<64xi32, #tpu.memory_space<vmem>>
    %dma_start3A_26 = arith.constant 0 : i32
    %dma_start3A_27 = arith.constant 0 : i32
    %dma_start3A_28 = tpu.memref_slice %arg4[%dma_start3A_26, %dma_start3A_27] : memref<100000x128xf32, #tpu.memory_space<hbm>> -> memref<100000x128xf32, #tpu.memory_space<hbm>>
    tpu.enqueue_indirect_dma source(%dma_start3A_28 : memref<100000x128xf32, #tpu.memory_space<hbm>>) target(%arg15 : memref<64x128xf32, #tpu.memory_space<vmem>>) offsets(%dma_start3A_25 : memref<64xi32, #tpu.memory_space<vmem>>) semaphore(%arg22 : memref<!tpu.dma_semaphore, #tpu.memory_space<semaphore_mem>>)
    %dma_start3A_29 = arith.constant 64 : i32
    %dma_start3A_30 = tpu.memref_slice %arg13[%dma_start3A_29] : memref<256xi32, #tpu.memory_space<vmem>> -> memref<64xi32, #tpu.memory_space<vmem>>
    %dma_start3A_31 = arith.constant 0 : i32
    %dma_start3A_32 = arith.constant 0 : i32
    %dma_start3A_33 = tpu.memref_slice %arg5[%dma_start3A_31, %dma_start3A_32] : memref<100000x128xf32, #tpu.memory_space<hbm>> -> memref<100000x128xf32, #tpu.memory_space<hbm>>
    tpu.enqueue_indirect_dma source(%dma_start3A_33 : memref<100000x128xf32, #tpu.memory_space<hbm>>) target(%arg17 : memref<64x128xf32, #tpu.memory_space<vmem>>) offsets(%dma_start3A_30 : memref<64xi32, #tpu.memory_space<vmem>>) semaphore(%arg22 : memref<!tpu.dma_semaphore, #tpu.memory_space<semaphore_mem>>)
    %dma_start3A_34 = arith.constant 64 : i32
    %dma_start3A_35 = tpu.memref_slice %arg12[%dma_start3A_34] : memref<256xi32, #tpu.memory_space<vmem>> -> memref<64xi32, #tpu.memory_space<vmem>>
    %dma_start3A_36 = arith.constant 0 : i32
    %dma_start3A_37 = arith.constant 0 : i32
    %dma_start3A_38 = tpu.memref_slice %arg6[%dma_start3A_36, %dma_start3A_37] : memref<100000x128xf32, #tpu.memory_space<hbm>> -> memref<100000x128xf32, #tpu.memory_space<hbm>>
    tpu.enqueue_indirect_dma source(%dma_start3A_38 : memref<100000x128xf32, #tpu.memory_space<hbm>>) target(%arg19 : memref<64x128xf32, #tpu.memory_space<vmem>>) offsets(%dma_start3A_35 : memref<64xi32, #tpu.memory_space<vmem>>) semaphore(%arg22 : memref<!tpu.dma_semaphore, #tpu.memory_space<semaphore_mem>>)
    %dma_start3A_39 = arith.constant 64 : i32
    %dma_start3A_40 = tpu.memref_slice %arg13[%dma_start3A_39] : memref<256xi32, #tpu.memory_space<vmem>> -> memref<64xi32, #tpu.memory_space<vmem>>
    %dma_start3A_41 = arith.constant 0 : i32
    %dma_start3A_42 = arith.constant 0 : i32
    %dma_start3A_43 = tpu.memref_slice %arg7[%dma_start3A_41, %dma_start3A_42] : memref<100000x128xf32, #tpu.memory_space<hbm>> -> memref<100000x128xf32, #tpu.memory_space<hbm>>
    tpu.enqueue_indirect_dma source(%dma_start3A_43 : memref<100000x128xf32, #tpu.memory_space<hbm>>) target(%arg21 : memref<64x128xf32, #tpu.memory_space<vmem>>) offsets(%dma_start3A_40 : memref<64xi32, #tpu.memory_space<vmem>>) semaphore(%arg22 : memref<!tpu.dma_semaphore, #tpu.memory_space<semaphore_mem>>)
    %dma_wait3A = arith.constant 0 : i32
    %dma_wait3A_44 = tpu.memref_slice %arg12[%dma_wait3A] : memref<256xi32, #tpu.memory_space<vmem>> -> memref<64xi32, #tpu.memory_space<vmem>>
    %dma_wait3A_45 = arith.constant 0 : i32
    %dma_wait3A_46 = arith.constant 0 : i32
    %dma_wait3A_47 = tpu.memref_slice %arg4[%dma_wait3A_45, %dma_wait3A_46] : memref<100000x128xf32, #tpu.memory_space<hbm>> -> memref<100000x128xf32, #tpu.memory_space<hbm>>
    tpu.wait_indirect_dma semaphore(%arg22 : memref<!tpu.dma_semaphore, #tpu.memory_space<semaphore_mem>>) src(%dma_wait3A_47 : memref<100000x128xf32, #tpu.memory_space<hbm>>) dst(%arg14 : memref<64x128xf32, #tpu.memory_space<vmem>>)
    %dma_wait3A_48 = arith.constant 0 : i32
    %dma_wait3A_49 = tpu.memref_slice %arg13[%dma_wait3A_48] : memref<256xi32, #tpu.memory_space<vmem>> -> memref<64xi32, #tpu.memory_space<vmem>>
    %dma_wait3A_50 = arith.constant 0 : i32
    %dma_wait3A_51 = arith.constant 0 : i32
    %dma_wait3A_52 = tpu.memref_slice %arg5[%dma_wait3A_50, %dma_wait3A_51] : memref<100000x128xf32, #tpu.memory_space<hbm>> -> memref<100000x128xf32, #tpu.memory_space<hbm>>
    tpu.wait_indirect_dma semaphore(%arg22 : memref<!tpu.dma_semaphore, #tpu.memory_space<semaphore_mem>>) src(%dma_wait3A_52 : memref<100000x128xf32, #tpu.memory_space<hbm>>) dst(%arg16 : memref<64x128xf32, #tpu.memory_space<vmem>>)
    %dma_wait3A_53 = arith.constant 0 : i32
    %dma_wait3A_54 = tpu.memref_slice %arg12[%dma_wait3A_53] : memref<256xi32, #tpu.memory_space<vmem>> -> memref<64xi32, #tpu.memory_space<vmem>>
    %dma_wait3A_55 = arith.constant 0 : i32
    %dma_wait3A_56 = arith.constant 0 : i32
    %dma_wait3A_57 = tpu.memref_slice %arg6[%dma_wait3A_55, %dma_wait3A_56] : memref<100000x128xf32, #tpu.memory_space<hbm>> -> memref<100000x128xf32, #tpu.memory_space<hbm>>
    tpu.wait_indirect_dma semaphore(%arg22 : memref<!tpu.dma_semaphore, #tpu.memory_space<semaphore_mem>>) src(%dma_wait3A_57 : memref<100000x128xf32, #tpu.memory_space<hbm>>) dst(%arg18 : memref<64x128xf32, #tpu.memory_space<vmem>>)
    %dma_wait3A_58 = arith.constant 0 : i32
    %dma_wait3A_59 = tpu.memref_slice %arg13[%dma_wait3A_58] : memref<256xi32, #tpu.memory_space<vmem>> -> memref<64xi32, #tpu.memory_space<vmem>>
    %dma_wait3A_60 = arith.constant 0 : i32
    %dma_wait3A_61 = arith.constant 0 : i32
    %dma_wait3A_62 = tpu.memref_slice %arg7[%dma_wait3A_60, %dma_wait3A_61] : memref<100000x128xf32, #tpu.memory_space<hbm>> -> memref<100000x128xf32, #tpu.memory_space<hbm>>
    tpu.wait_indirect_dma semaphore(%arg22 : memref<!tpu.dma_semaphore, #tpu.memory_space<semaphore_mem>>) src(%dma_wait3A_62 : memref<100000x128xf32, #tpu.memory_space<hbm>>) dst(%arg20 : memref<64x128xf32, #tpu.memory_space<vmem>>)
    %add3A_63 = arith.constant 0 : i32
    %add3A_64 = arith.addi %mul3A_2, %add3A_63 : i32
    %dma_start3A_65 = arith.constant 0 : i32
    %dma_start3A_66 = tpu.memref_slice %arg8[%add3A_64, %dma_start3A_65] : memref<8192x128xf32, #tpu.memory_space<hbm>> -> memref<64x128xf32, #tpu.memory_space<hbm>>
    %dma_start3A_67 = arith.constant 0 : i32
    %dma_start3A_68 = tpu.memref_slice %arg8[%add3A_64, %dma_start3A_67] : memref<8192x128xf32, #tpu.memory_space<hbm>> -> memref<64x128xf32, #tpu.memory_space<hbm>>
    tpu.enqueue_dma source(%arg14 : memref<64x128xf32, #tpu.memory_space<vmem>>) target(%dma_start3A_68 : memref<64x128xf32, #tpu.memory_space<hbm>>) target_semaphore(%arg23 : memref<!tpu.dma_semaphore, #tpu.memory_space<semaphore_mem>>)
    %dma_start3A_69 = arith.constant 0 : i32
    %dma_start3A_70 = tpu.memref_slice %arg9[%add3A_64, %dma_start3A_69] : memref<8192x128xf32, #tpu.memory_space<hbm>> -> memref<64x128xf32, #tpu.memory_space<hbm>>
    %dma_start3A_71 = arith.constant 0 : i32
    %dma_start3A_72 = tpu.memref_slice %arg9[%add3A_64, %dma_start3A_71] : memref<8192x128xf32, #tpu.memory_space<hbm>> -> memref<64x128xf32, #tpu.memory_space<hbm>>
    tpu.enqueue_dma source(%arg16 : memref<64x128xf32, #tpu.memory_space<vmem>>) target(%dma_start3A_72 : memref<64x128xf32, #tpu.memory_space<hbm>>) target_semaphore(%arg23 : memref<!tpu.dma_semaphore, #tpu.memory_space<semaphore_mem>>)
    %dma_start3A_73 = arith.constant 0 : i32
    %dma_start3A_74 = tpu.memref_slice %arg10[%add3A_64, %dma_start3A_73] : memref<8192x128xf32, #tpu.memory_space<hbm>> -> memref<64x128xf32, #tpu.memory_space<hbm>>
    %dma_start3A_75 = arith.constant 0 : i32
    %dma_start3A_76 = tpu.memref_slice %arg10[%add3A_64, %dma_start3A_75] : memref<8192x128xf32, #tpu.memory_space<hbm>> -> memref<64x128xf32, #tpu.memory_space<hbm>>
    tpu.enqueue_dma source(%arg18 : memref<64x128xf32, #tpu.memory_space<vmem>>) target(%dma_start3A_76 : memref<64x128xf32, #tpu.memory_space<hbm>>) target_semaphore(%arg23 : memref<!tpu.dma_semaphore, #tpu.memory_space<semaphore_mem>>)
    %dma_start3A_77 = arith.constant 0 : i32
    %dma_start3A_78 = tpu.memref_slice %arg11[%add3A_64, %dma_start3A_77] : memref<8192x128xf32, #tpu.memory_space<hbm>> -> memref<64x128xf32, #tpu.memory_space<hbm>>
    %dma_start3A_79 = arith.constant 0 : i32
    %dma_start3A_80 = tpu.memref_slice %arg11[%add3A_64, %dma_start3A_79] : memref<8192x128xf32, #tpu.memory_space<hbm>> -> memref<64x128xf32, #tpu.memory_space<hbm>>
    tpu.enqueue_dma source(%arg20 : memref<64x128xf32, #tpu.memory_space<vmem>>) target(%dma_start3A_80 : memref<64x128xf32, #tpu.memory_space<hbm>>) target_semaphore(%arg23 : memref<!tpu.dma_semaphore, #tpu.memory_space<semaphore_mem>>)
    %dma_wait3A_81 = arith.constant 0 : i32
    %dma_wait3A_82 = tpu.memref_slice %arg8[%add3A_64, %dma_wait3A_81] : memref<8192x128xf32, #tpu.memory_space<hbm>> -> memref<64x128xf32, #tpu.memory_space<hbm>>
    %dma_wait3A_83 = arith.constant 0 : i32
    %dma_wait3A_84 = tpu.memref_slice %arg8[%add3A_64, %dma_wait3A_83] : memref<8192x128xf32, #tpu.memory_space<hbm>> -> memref<64x128xf32, #tpu.memory_space<hbm>>
    tpu.wait_dma2 semaphore(%arg23 : memref<!tpu.dma_semaphore, #tpu.memory_space<semaphore_mem>>) src(%arg14 : memref<64x128xf32, #tpu.memory_space<vmem>>) dst(%dma_wait3A_84 : memref<64x128xf32, #tpu.memory_space<hbm>>)
    %dma_wait3A_85 = arith.constant 0 : i32
    %dma_wait3A_86 = tpu.memref_slice %arg9[%add3A_64, %dma_wait3A_85] : memref<8192x128xf32, #tpu.memory_space<hbm>> -> memref<64x128xf32, #tpu.memory_space<hbm>>
    %dma_wait3A_87 = arith.constant 0 : i32
    %dma_wait3A_88 = tpu.memref_slice %arg9[%add3A_64, %dma_wait3A_87] : memref<8192x128xf32, #tpu.memory_space<hbm>> -> memref<64x128xf32, #tpu.memory_space<hbm>>
    tpu.wait_dma2 semaphore(%arg23 : memref<!tpu.dma_semaphore, #tpu.memory_space<semaphore_mem>>) src(%arg16 : memref<64x128xf32, #tpu.memory_space<vmem>>) dst(%dma_wait3A_88 : memref<64x128xf32, #tpu.memory_space<hbm>>)
    %dma_wait3A_89 = arith.constant 0 : i32
    %dma_wait3A_90 = tpu.memref_slice %arg10[%add3A_64, %dma_wait3A_89] : memref<8192x128xf32, #tpu.memory_space<hbm>> -> memref<64x128xf32, #tpu.memory_space<hbm>>
    %dma_wait3A_91 = arith.constant 0 : i32
    %dma_wait3A_92 = tpu.memref_slice %arg10[%add3A_64, %dma_wait3A_91] : memref<8192x128xf32, #tpu.memory_space<hbm>> -> memref<64x128xf32, #tpu.memory_space<hbm>>
    tpu.wait_dma2 semaphore(%arg23 : memref<!tpu.dma_semaphore, #tpu.memory_space<semaphore_mem>>) src(%arg18 : memref<64x128xf32, #tpu.memory_space<vmem>>) dst(%dma_wait3A_92 : memref<64x128xf32, #tpu.memory_space<hbm>>)
    %dma_wait3A_93 = arith.constant 0 : i32
    %dma_wait3A_94 = tpu.memref_slice %arg11[%add3A_64, %dma_wait3A_93] : memref<8192x128xf32, #tpu.memory_space<hbm>> -> memref<64x128xf32, #tpu.memory_space<hbm>>
    %dma_wait3A_95 = arith.constant 0 : i32
    %dma_wait3A_96 = tpu.memref_slice %arg11[%add3A_64, %dma_wait3A_95] : memref<8192x128xf32, #tpu.memory_space<hbm>> -> memref<64x128xf32, #tpu.memory_space<hbm>>
    tpu.wait_dma2 semaphore(%arg23 : memref<!tpu.dma_semaphore, #tpu.memory_space<semaphore_mem>>) src(%arg20 : memref<64x128xf32, #tpu.memory_space<vmem>>) dst(%dma_wait3A_96 : memref<64x128xf32, #tpu.memory_space<hbm>>)
    %dma_start3A_97 = arith.constant 128 : i32
    %dma_start3A_98 = tpu.memref_slice %arg12[%dma_start3A_97] : memref<256xi32, #tpu.memory_space<vmem>> -> memref<64xi32, #tpu.memory_space<vmem>>
    %dma_start3A_99 = arith.constant 0 : i32
    %dma_start3A_100 = arith.constant 0 : i32
    %dma_start3A_101 = tpu.memref_slice %arg4[%dma_start3A_99, %dma_start3A_100] : memref<100000x128xf32, #tpu.memory_space<hbm>> -> memref<100000x128xf32, #tpu.memory_space<hbm>>
    tpu.enqueue_indirect_dma source(%dma_start3A_101 : memref<100000x128xf32, #tpu.memory_space<hbm>>) target(%arg14 : memref<64x128xf32, #tpu.memory_space<vmem>>) offsets(%dma_start3A_98 : memref<64xi32, #tpu.memory_space<vmem>>) semaphore(%arg22 : memref<!tpu.dma_semaphore, #tpu.memory_space<semaphore_mem>>)
    %dma_start3A_102 = arith.constant 128 : i32
    %dma_start3A_103 = tpu.memref_slice %arg13[%dma_start3A_102] : memref<256xi32, #tpu.memory_space<vmem>> -> memref<64xi32, #tpu.memory_space<vmem>>
    %dma_start3A_104 = arith.constant 0 : i32
    %dma_start3A_105 = arith.constant 0 : i32
    %dma_start3A_106 = tpu.memref_slice %arg5[%dma_start3A_104, %dma_start3A_105] : memref<100000x128xf32, #tpu.memory_space<hbm>> -> memref<100000x128xf32, #tpu.memory_space<hbm>>
    tpu.enqueue_indirect_dma source(%dma_start3A_106 : memref<100000x128xf32, #tpu.memory_space<hbm>>) target(%arg16 : memref<64x128xf32, #tpu.memory_space<vmem>>) offsets(%dma_start3A_103 : memref<64xi32, #tpu.memory_space<vmem>>) semaphore(%arg22 : memref<!tpu.dma_semaphore, #tpu.memory_space<semaphore_mem>>)
    %dma_start3A_107 = arith.constant 128 : i32
    %dma_start3A_108 = tpu.memref_slice %arg12[%dma_start3A_107] : memref<256xi32, #tpu.memory_space<vmem>> -> memref<64xi32, #tpu.memory_space<vmem>>
    %dma_start3A_109 = arith.constant 0 : i32
    %dma_start3A_110 = arith.constant 0 : i32
    %dma_start3A_111 = tpu.memref_slice %arg6[%dma_start3A_109, %dma_start3A_110] : memref<100000x128xf32, #tpu.memory_space<hbm>> -> memref<100000x128xf32, #tpu.memory_space<hbm>>
    tpu.enqueue_indirect_dma source(%dma_start3A_111 : memref<100000x128xf32, #tpu.memory_space<hbm>>) target(%arg18 : memref<64x128xf32, #tpu.memory_space<vmem>>) offsets(%dma_start3A_108 : memref<64xi32, #tpu.memory_space<vmem>>) semaphore(%arg22 : memref<!tpu.dma_semaphore, #tpu.memory_space<semaphore_mem>>)
    %dma_start3A_112 = arith.constant 128 : i32
    %dma_start3A_113 = tpu.memref_slice %arg13[%dma_start3A_112] : memref<256xi32, #tpu.memory_space<vmem>> -> memref<64xi32, #tpu.memory_space<vmem>>
    %dma_start3A_114 = arith.constant 0 : i32
    %dma_start3A_115 = arith.constant 0 : i32
    %dma_start3A_116 = tpu.memref_slice %arg7[%dma_start3A_114, %dma_start3A_115] : memref<100000x128xf32, #tpu.memory_space<hbm>> -> memref<100000x128xf32, #tpu.memory_space<hbm>>
    tpu.enqueue_indirect_dma source(%dma_start3A_116 : memref<100000x128xf32, #tpu.memory_space<hbm>>) target(%arg20 : memref<64x128xf32, #tpu.memory_space<vmem>>) offsets(%dma_start3A_113 : memref<64xi32, #tpu.memory_space<vmem>>) semaphore(%arg22 : memref<!tpu.dma_semaphore, #tpu.memory_space<semaphore_mem>>)
    %dma_wait3A_117 = arith.constant 64 : i32
    %dma_wait3A_118 = tpu.memref_slice %arg12[%dma_wait3A_117] : memref<256xi32, #tpu.memory_space<vmem>> -> memref<64xi32, #tpu.memory_space<vmem>>
    %dma_wait3A_119 = arith.constant 0 : i32
    %dma_wait3A_120 = arith.constant 0 : i32
    %dma_wait3A_121 = tpu.memref_slice %arg4[%dma_wait3A_119, %dma_wait3A_120] : memref<100000x128xf32, #tpu.memory_space<hbm>> -> memref<100000x128xf32, #tpu.memory_space<hbm>>
    tpu.wait_indirect_dma semaphore(%arg22 : memref<!tpu.dma_semaphore, #tpu.memory_space<semaphore_mem>>) src(%dma_wait3A_121 : memref<100000x128xf32, #tpu.memory_space<hbm>>) dst(%arg15 : memref<64x128xf32, #tpu.memory_space<vmem>>)
    %dma_wait3A_122 = arith.constant 64 : i32
    %dma_wait3A_123 = tpu.memref_slice %arg13[%dma_wait3A_122] : memref<256xi32, #tpu.memory_space<vmem>> -> memref<64xi32, #tpu.memory_space<vmem>>
    %dma_wait3A_124 = arith.constant 0 : i32
    %dma_wait3A_125 = arith.constant 0 : i32
    %dma_wait3A_126 = tpu.memref_slice %arg5[%dma_wait3A_124, %dma_wait3A_125] : memref<100000x128xf32, #tpu.memory_space<hbm>> -> memref<100000x128xf32, #tpu.memory_space<hbm>>
    tpu.wait_indirect_dma semaphore(%arg22 : memref<!tpu.dma_semaphore, #tpu.memory_space<semaphore_mem>>) src(%dma_wait3A_126 : memref<100000x128xf32, #tpu.memory_space<hbm>>) dst(%arg17 : memref<64x128xf32, #tpu.memory_space<vmem>>)
    %dma_wait3A_127 = arith.constant 64 : i32
    %dma_wait3A_128 = tpu.memref_slice %arg12[%dma_wait3A_127] : memref<256xi32, #tpu.memory_space<vmem>> -> memref<64xi32, #tpu.memory_space<vmem>>
    %dma_wait3A_129 = arith.constant 0 : i32
    %dma_wait3A_130 = arith.constant 0 : i32
    %dma_wait3A_131 = tpu.memref_slice %arg6[%dma_wait3A_129, %dma_wait3A_130] : memref<100000x128xf32, #tpu.memory_space<hbm>> -> memref<100000x128xf32, #tpu.memory_space<hbm>>
    tpu.wait_indirect_dma semaphore(%arg22 : memref<!tpu.dma_semaphore, #tpu.memory_space<semaphore_mem>>) src(%dma_wait3A_131 : memref<100000x128xf32, #tpu.memory_space<hbm>>) dst(%arg19 : memref<64x128xf32, #tpu.memory_space<vmem>>)
    %dma_wait3A_132 = arith.constant 64 : i32
    %dma_wait3A_133 = tpu.memref_slice %arg13[%dma_wait3A_132] : memref<256xi32, #tpu.memory_space<vmem>> -> memref<64xi32, #tpu.memory_space<vmem>>
    %dma_wait3A_134 = arith.constant 0 : i32
    %dma_wait3A_135 = arith.constant 0 : i32
    %dma_wait3A_136 = tpu.memref_slice %arg7[%dma_wait3A_134, %dma_wait3A_135] : memref<100000x128xf32, #tpu.memory_space<hbm>> -> memref<100000x128xf32, #tpu.memory_space<hbm>>
    tpu.wait_indirect_dma semaphore(%arg22 : memref<!tpu.dma_semaphore, #tpu.memory_space<semaphore_mem>>) src(%dma_wait3A_136 : memref<100000x128xf32, #tpu.memory_space<hbm>>) dst(%arg21 : memref<64x128xf32, #tpu.memory_space<vmem>>)
    %add3A_137 = arith.constant 64 : i32
    %add3A_138 = arith.addi %mul3A_2, %add3A_137 : i32
    %dma_start3A_139 = arith.constant 0 : i32
    %dma_start3A_140 = tpu.memref_slice %arg8[%add3A_138, %dma_start3A_139] : memref<8192x128xf32, #tpu.memory_space<hbm>> -> memref<64x128xf32, #tpu.memory_space<hbm>>
    %dma_start3A_141 = arith.constant 0 : i32
    %dma_start3A_142 = tpu.memref_slice %arg8[%add3A_138, %dma_start3A_141] : memref<8192x128xf32, #tpu.memory_space<hbm>> -> memref<64x128xf32, #tpu.memory_space<hbm>>
    tpu.enqueue_dma source(%arg15 : memref<64x128xf32, #tpu.memory_space<vmem>>) target(%dma_start3A_142 : memref<64x128xf32, #tpu.memory_space<hbm>>) target_semaphore(%arg23 : memref<!tpu.dma_semaphore, #tpu.memory_space<semaphore_mem>>)
    %dma_start3A_143 = arith.constant 0 : i32
    %dma_start3A_144 = tpu.memref_slice %arg9[%add3A_138, %dma_start3A_143] : memref<8192x128xf32, #tpu.memory_space<hbm>> -> memref<64x128xf32, #tpu.memory_space<hbm>>
    %dma_start3A_145 = arith.constant 0 : i32
    %dma_start3A_146 = tpu.memref_slice %arg9[%add3A_138, %dma_start3A_145] : memref<8192x128xf32, #tpu.memory_space<hbm>> -> memref<64x128xf32, #tpu.memory_space<hbm>>
    tpu.enqueue_dma source(%arg17 : memref<64x128xf32, #tpu.memory_space<vmem>>) target(%dma_start3A_146 : memref<64x128xf32, #tpu.memory_space<hbm>>) target_semaphore(%arg23 : memref<!tpu.dma_semaphore, #tpu.memory_space<semaphore_mem>>)
    %dma_start3A_147 = arith.constant 0 : i32
    %dma_start3A_148 = tpu.memref_slice %arg10[%add3A_138, %dma_start3A_147] : memref<8192x128xf32, #tpu.memory_space<hbm>> -> memref<64x128xf32, #tpu.memory_space<hbm>>
    %dma_start3A_149 = arith.constant 0 : i32
    %dma_start3A_150 = tpu.memref_slice %arg10[%add3A_138, %dma_start3A_149] : memref<8192x128xf32, #tpu.memory_space<hbm>> -> memref<64x128xf32, #tpu.memory_space<hbm>>
    tpu.enqueue_dma source(%arg19 : memref<64x128xf32, #tpu.memory_space<vmem>>) target(%dma_start3A_150 : memref<64x128xf32, #tpu.memory_space<hbm>>) target_semaphore(%arg23 : memref<!tpu.dma_semaphore, #tpu.memory_space<semaphore_mem>>)
    %dma_start3A_151 = arith.constant 0 : i32
    %dma_start3A_152 = tpu.memref_slice %arg11[%add3A_138, %dma_start3A_151] : memref<8192x128xf32, #tpu.memory_space<hbm>> -> memref<64x128xf32, #tpu.memory_space<hbm>>
    %dma_start3A_153 = arith.constant 0 : i32
    %dma_start3A_154 = tpu.memref_slice %arg11[%add3A_138, %dma_start3A_153] : memref<8192x128xf32, #tpu.memory_space<hbm>> -> memref<64x128xf32, #tpu.memory_space<hbm>>
    tpu.enqueue_dma source(%arg21 : memref<64x128xf32, #tpu.memory_space<vmem>>) target(%dma_start3A_154 : memref<64x128xf32, #tpu.memory_space<hbm>>) target_semaphore(%arg23 : memref<!tpu.dma_semaphore, #tpu.memory_space<semaphore_mem>>)
    %dma_wait3A_155 = arith.constant 0 : i32
    %dma_wait3A_156 = tpu.memref_slice %arg8[%add3A_138, %dma_wait3A_155] : memref<8192x128xf32, #tpu.memory_space<hbm>> -> memref<64x128xf32, #tpu.memory_space<hbm>>
    %dma_wait3A_157 = arith.constant 0 : i32
    %dma_wait3A_158 = tpu.memref_slice %arg8[%add3A_138, %dma_wait3A_157] : memref<8192x128xf32, #tpu.memory_space<hbm>> -> memref<64x128xf32, #tpu.memory_space<hbm>>
    tpu.wait_dma2 semaphore(%arg23 : memref<!tpu.dma_semaphore, #tpu.memory_space<semaphore_mem>>) src(%arg15 : memref<64x128xf32, #tpu.memory_space<vmem>>) dst(%dma_wait3A_158 : memref<64x128xf32, #tpu.memory_space<hbm>>)
    %dma_wait3A_159 = arith.constant 0 : i32
    %dma_wait3A_160 = tpu.memref_slice %arg9[%add3A_138, %dma_wait3A_159] : memref<8192x128xf32, #tpu.memory_space<hbm>> -> memref<64x128xf32, #tpu.memory_space<hbm>>
    %dma_wait3A_161 = arith.constant 0 : i32
    %dma_wait3A_162 = tpu.memref_slice %arg9[%add3A_138, %dma_wait3A_161] : memref<8192x128xf32, #tpu.memory_space<hbm>> -> memref<64x128xf32, #tpu.memory_space<hbm>>
    tpu.wait_dma2 semaphore(%arg23 : memref<!tpu.dma_semaphore, #tpu.memory_space<semaphore_mem>>) src(%arg17 : memref<64x128xf32, #tpu.memory_space<vmem>>) dst(%dma_wait3A_162 : memref<64x128xf32, #tpu.memory_space<hbm>>)
    %dma_wait3A_163 = arith.constant 0 : i32
    %dma_wait3A_164 = tpu.memref_slice %arg10[%add3A_138, %dma_wait3A_163] : memref<8192x128xf32, #tpu.memory_space<hbm>> -> memref<64x128xf32, #tpu.memory_space<hbm>>
    %dma_wait3A_165 = arith.constant 0 : i32
    %dma_wait3A_166 = tpu.memref_slice %arg10[%add3A_138, %dma_wait3A_165] : memref<8192x128xf32, #tpu.memory_space<hbm>> -> memref<64x128xf32, #tpu.memory_space<hbm>>
    tpu.wait_dma2 semaphore(%arg23 : memref<!tpu.dma_semaphore, #tpu.memory_space<semaphore_mem>>) src(%arg19 : memref<64x128xf32, #tpu.memory_space<vmem>>) dst(%dma_wait3A_166 : memref<64x128xf32, #tpu.memory_space<hbm>>)
    %dma_wait3A_167 = arith.constant 0 : i32
    %dma_wait3A_168 = tpu.memref_slice %arg11[%add3A_138, %dma_wait3A_167] : memref<8192x128xf32, #tpu.memory_space<hbm>> -> memref<64x128xf32, #tpu.memory_space<hbm>>
    %dma_wait3A_169 = arith.constant 0 : i32
    %dma_wait3A_170 = tpu.memref_slice %arg11[%add3A_138, %dma_wait3A_169] : memref<8192x128xf32, #tpu.memory_space<hbm>> -> memref<64x128xf32, #tpu.memory_space<hbm>>
    tpu.wait_dma2 semaphore(%arg23 : memref<!tpu.dma_semaphore, #tpu.memory_space<semaphore_mem>>) src(%arg21 : memref<64x128xf32, #tpu.memory_space<vmem>>) dst(%dma_wait3A_170 : memref<64x128xf32, #tpu.memory_space<hbm>>)
    %dma_start3A_171 = arith.constant 192 : i32
    %dma_start3A_172 = tpu.memref_slice %arg12[%dma_start3A_171] : memref<256xi32, #tpu.memory_space<vmem>> -> memref<64xi32, #tpu.memory_space<vmem>>
    %dma_start3A_173 = arith.constant 0 : i32
    %dma_start3A_174 = arith.constant 0 : i32
    %dma_start3A_175 = tpu.memref_slice %arg4[%dma_start3A_173, %dma_start3A_174] : memref<100000x128xf32, #tpu.memory_space<hbm>> -> memref<100000x128xf32, #tpu.memory_space<hbm>>
    tpu.enqueue_indirect_dma source(%dma_start3A_175 : memref<100000x128xf32, #tpu.memory_space<hbm>>) target(%arg15 : memref<64x128xf32, #tpu.memory_space<vmem>>) offsets(%dma_start3A_172 : memref<64xi32, #tpu.memory_space<vmem>>) semaphore(%arg22 : memref<!tpu.dma_semaphore, #tpu.memory_space<semaphore_mem>>)
    %dma_start3A_176 = arith.constant 192 : i32
    %dma_start3A_177 = tpu.memref_slice %arg13[%dma_start3A_176] : memref<256xi32, #tpu.memory_space<vmem>> -> memref<64xi32, #tpu.memory_space<vmem>>
    %dma_start3A_178 = arith.constant 0 : i32
    %dma_start3A_179 = arith.constant 0 : i32
    %dma_start3A_180 = tpu.memref_slice %arg5[%dma_start3A_178, %dma_start3A_179] : memref<100000x128xf32, #tpu.memory_space<hbm>> -> memref<100000x128xf32, #tpu.memory_space<hbm>>
    tpu.enqueue_indirect_dma source(%dma_start3A_180 : memref<100000x128xf32, #tpu.memory_space<hbm>>) target(%arg17 : memref<64x128xf32, #tpu.memory_space<vmem>>) offsets(%dma_start3A_177 : memref<64xi32, #tpu.memory_space<vmem>>) semaphore(%arg22 : memref<!tpu.dma_semaphore, #tpu.memory_space<semaphore_mem>>)
    %dma_start3A_181 = arith.constant 192 : i32
    %dma_start3A_182 = tpu.memref_slice %arg12[%dma_start3A_181] : memref<256xi32, #tpu.memory_space<vmem>> -> memref<64xi32, #tpu.memory_space<vmem>>
    %dma_start3A_183 = arith.constant 0 : i32
    %dma_start3A_184 = arith.constant 0 : i32
    %dma_start3A_185 = tpu.memref_slice %arg6[%dma_start3A_183, %dma_start3A_184] : memref<100000x128xf32, #tpu.memory_space<hbm>> -> memref<100000x128xf32, #tpu.memory_space<hbm>>
    tpu.enqueue_indirect_dma source(%dma_start3A_185 : memref<100000x128xf32, #tpu.memory_space<hbm>>) target(%arg19 : memref<64x128xf32, #tpu.memory_space<vmem>>) offsets(%dma_start3A_182 : memref<64xi32, #tpu.memory_space<vmem>>) semaphore(%arg22 : memref<!tpu.dma_semaphore, #tpu.memory_space<semaphore_mem>>)
    %dma_start3A_186 = arith.constant 192 : i32
    %dma_start3A_187 = tpu.memref_slice %arg13[%dma_start3A_186] : memref<256xi32, #tpu.memory_space<vmem>> -> memref<64xi32, #tpu.memory_space<vmem>>
    %dma_start3A_188 = arith.constant 0 : i32
    %dma_start3A_189 = arith.constant 0 : i32
    %dma_start3A_190 = tpu.memref_slice %arg7[%dma_start3A_188, %dma_start3A_189] : memref<100000x128xf32, #tpu.memory_space<hbm>> -> memref<100000x128xf32, #tpu.memory_space<hbm>>
    tpu.enqueue_indirect_dma source(%dma_start3A_190 : memref<100000x128xf32, #tpu.memory_space<hbm>>) target(%arg21 : memref<64x128xf32, #tpu.memory_space<vmem>>) offsets(%dma_start3A_187 : memref<64xi32, #tpu.memory_space<vmem>>) semaphore(%arg22 : memref<!tpu.dma_semaphore, #tpu.memory_space<semaphore_mem>>)
    %dma_wait3A_191 = arith.constant 128 : i32
    %dma_wait3A_192 = tpu.memref_slice %arg12[%dma_wait3A_191] : memref<256xi32, #tpu.memory_space<vmem>> -> memref<64xi32, #tpu.memory_space<vmem>>
    %dma_wait3A_193 = arith.constant 0 : i32
    %dma_wait3A_194 = arith.constant 0 : i32
    %dma_wait3A_195 = tpu.memref_slice %arg4[%dma_wait3A_193, %dma_wait3A_194] : memref<100000x128xf32, #tpu.memory_space<hbm>> -> memref<100000x128xf32, #tpu.memory_space<hbm>>
    tpu.wait_indirect_dma semaphore(%arg22 : memref<!tpu.dma_semaphore, #tpu.memory_space<semaphore_mem>>) src(%dma_wait3A_195 : memref<100000x128xf32, #tpu.memory_space<hbm>>) dst(%arg14 : memref<64x128xf32, #tpu.memory_space<vmem>>)
    %dma_wait3A_196 = arith.constant 128 : i32
    %dma_wait3A_197 = tpu.memref_slice %arg13[%dma_wait3A_196] : memref<256xi32, #tpu.memory_space<vmem>> -> memref<64xi32, #tpu.memory_space<vmem>>
    %dma_wait3A_198 = arith.constant 0 : i32
    %dma_wait3A_199 = arith.constant 0 : i32
    %dma_wait3A_200 = tpu.memref_slice %arg5[%dma_wait3A_198, %dma_wait3A_199] : memref<100000x128xf32, #tpu.memory_space<hbm>> -> memref<100000x128xf32, #tpu.memory_space<hbm>>
    tpu.wait_indirect_dma semaphore(%arg22 : memref<!tpu.dma_semaphore, #tpu.memory_space<semaphore_mem>>) src(%dma_wait3A_200 : memref<100000x128xf32, #tpu.memory_space<hbm>>) dst(%arg16 : memref<64x128xf32, #tpu.memory_space<vmem>>)
    %dma_wait3A_201 = arith.constant 128 : i32
    %dma_wait3A_202 = tpu.memref_slice %arg12[%dma_wait3A_201] : memref<256xi32, #tpu.memory_space<vmem>> -> memref<64xi32, #tpu.memory_space<vmem>>
    %dma_wait3A_203 = arith.constant 0 : i32
    %dma_wait3A_204 = arith.constant 0 : i32
    %dma_wait3A_205 = tpu.memref_slice %arg6[%dma_wait3A_203, %dma_wait3A_204] : memref<100000x128xf32, #tpu.memory_space<hbm>> -> memref<100000x128xf32, #tpu.memory_space<hbm>>
    tpu.wait_indirect_dma semaphore(%arg22 : memref<!tpu.dma_semaphore, #tpu.memory_space<semaphore_mem>>) src(%dma_wait3A_205 : memref<100000x128xf32, #tpu.memory_space<hbm>>) dst(%arg18 : memref<64x128xf32, #tpu.memory_space<vmem>>)
    %dma_wait3A_206 = arith.constant 128 : i32
    %dma_wait3A_207 = tpu.memref_slice %arg13[%dma_wait3A_206] : memref<256xi32, #tpu.memory_space<vmem>> -> memref<64xi32, #tpu.memory_space<vmem>>
    %dma_wait3A_208 = arith.constant 0 : i32
    %dma_wait3A_209 = arith.constant 0 : i32
    %dma_wait3A_210 = tpu.memref_slice %arg7[%dma_wait3A_208, %dma_wait3A_209] : memref<100000x128xf32, #tpu.memory_space<hbm>> -> memref<100000x128xf32, #tpu.memory_space<hbm>>
    tpu.wait_indirect_dma semaphore(%arg22 : memref<!tpu.dma_semaphore, #tpu.memory_space<semaphore_mem>>) src(%dma_wait3A_210 : memref<100000x128xf32, #tpu.memory_space<hbm>>) dst(%arg20 : memref<64x128xf32, #tpu.memory_space<vmem>>)
    %add3A_211 = arith.constant 128 : i32
    %add3A_212 = arith.addi %mul3A_2, %add3A_211 : i32
    %dma_start3A_213 = arith.constant 0 : i32
    %dma_start3A_214 = tpu.memref_slice %arg8[%add3A_212, %dma_start3A_213] : memref<8192x128xf32, #tpu.memory_space<hbm>> -> memref<64x128xf32, #tpu.memory_space<hbm>>
    %dma_start3A_215 = arith.constant 0 : i32
    %dma_start3A_216 = tpu.memref_slice %arg8[%add3A_212, %dma_start3A_215] : memref<8192x128xf32, #tpu.memory_space<hbm>> -> memref<64x128xf32, #tpu.memory_space<hbm>>
    tpu.enqueue_dma source(%arg14 : memref<64x128xf32, #tpu.memory_space<vmem>>) target(%dma_start3A_216 : memref<64x128xf32, #tpu.memory_space<hbm>>) target_semaphore(%arg23 : memref<!tpu.dma_semaphore, #tpu.memory_space<semaphore_mem>>)
    %dma_start3A_217 = arith.constant 0 : i32
    %dma_start3A_218 = tpu.memref_slice %arg9[%add3A_212, %dma_start3A_217] : memref<8192x128xf32, #tpu.memory_space<hbm>> -> memref<64x128xf32, #tpu.memory_space<hbm>>
    %dma_start3A_219 = arith.constant 0 : i32
    %dma_start3A_220 = tpu.memref_slice %arg9[%add3A_212, %dma_start3A_219] : memref<8192x128xf32, #tpu.memory_space<hbm>> -> memref<64x128xf32, #tpu.memory_space<hbm>>
    tpu.enqueue_dma source(%arg16 : memref<64x128xf32, #tpu.memory_space<vmem>>) target(%dma_start3A_220 : memref<64x128xf32, #tpu.memory_space<hbm>>) target_semaphore(%arg23 : memref<!tpu.dma_semaphore, #tpu.memory_space<semaphore_mem>>)
    %dma_start3A_221 = arith.constant 0 : i32
    %dma_start3A_222 = tpu.memref_slice %arg10[%add3A_212, %dma_start3A_221] : memref<8192x128xf32, #tpu.memory_space<hbm>> -> memref<64x128xf32, #tpu.memory_space<hbm>>
    %dma_start3A_223 = arith.constant 0 : i32
    %dma_start3A_224 = tpu.memref_slice %arg10[%add3A_212, %dma_start3A_223] : memref<8192x128xf32, #tpu.memory_space<hbm>> -> memref<64x128xf32, #tpu.memory_space<hbm>>
    tpu.enqueue_dma source(%arg18 : memref<64x128xf32, #tpu.memory_space<vmem>>) target(%dma_start3A_224 : memref<64x128xf32, #tpu.memory_space<hbm>>) target_semaphore(%arg23 : memref<!tpu.dma_semaphore, #tpu.memory_space<semaphore_mem>>)
    %dma_start3A_225 = arith.constant 0 : i32
    %dma_start3A_226 = tpu.memref_slice %arg11[%add3A_212, %dma_start3A_225] : memref<8192x128xf32, #tpu.memory_space<hbm>> -> memref<64x128xf32, #tpu.memory_space<hbm>>
    %dma_start3A_227 = arith.constant 0 : i32
    %dma_start3A_228 = tpu.memref_slice %arg11[%add3A_212, %dma_start3A_227] : memref<8192x128xf32, #tpu.memory_space<hbm>> -> memref<64x128xf32, #tpu.memory_space<hbm>>
    tpu.enqueue_dma source(%arg20 : memref<64x128xf32, #tpu.memory_space<vmem>>) target(%dma_start3A_228 : memref<64x128xf32, #tpu.memory_space<hbm>>) target_semaphore(%arg23 : memref<!tpu.dma_semaphore, #tpu.memory_space<semaphore_mem>>)
    %dma_wait3A_229 = arith.constant 192 : i32
    %dma_wait3A_230 = tpu.memref_slice %arg12[%dma_wait3A_229] : memref<256xi32, #tpu.memory_space<vmem>> -> memref<64xi32, #tpu.memory_space<vmem>>
    %dma_wait3A_231 = arith.constant 0 : i32
    %dma_wait3A_232 = arith.constant 0 : i32
    %dma_wait3A_233 = tpu.memref_slice %arg4[%dma_wait3A_231, %dma_wait3A_232] : memref<100000x128xf32, #tpu.memory_space<hbm>> -> memref<100000x128xf32, #tpu.memory_space<hbm>>
    tpu.wait_indirect_dma semaphore(%arg22 : memref<!tpu.dma_semaphore, #tpu.memory_space<semaphore_mem>>) src(%dma_wait3A_233 : memref<100000x128xf32, #tpu.memory_space<hbm>>) dst(%arg15 : memref<64x128xf32, #tpu.memory_space<vmem>>)
    %dma_wait3A_234 = arith.constant 192 : i32
    %dma_wait3A_235 = tpu.memref_slice %arg13[%dma_wait3A_234] : memref<256xi32, #tpu.memory_space<vmem>> -> memref<64xi32, #tpu.memory_space<vmem>>
    %dma_wait3A_236 = arith.constant 0 : i32
    %dma_wait3A_237 = arith.constant 0 : i32
    %dma_wait3A_238 = tpu.memref_slice %arg5[%dma_wait3A_236, %dma_wait3A_237] : memref<100000x128xf32, #tpu.memory_space<hbm>> -> memref<100000x128xf32, #tpu.memory_space<hbm>>
    tpu.wait_indirect_dma semaphore(%arg22 : memref<!tpu.dma_semaphore, #tpu.memory_space<semaphore_mem>>) src(%dma_wait3A_238 : memref<100000x128xf32, #tpu.memory_space<hbm>>) dst(%arg17 : memref<64x128xf32, #tpu.memory_space<vmem>>)
    %dma_wait3A_239 = arith.constant 192 : i32
    %dma_wait3A_240 = tpu.memref_slice %arg12[%dma_wait3A_239] : memref<256xi32, #tpu.memory_space<vmem>> -> memref<64xi32, #tpu.memory_space<vmem>>
    %dma_wait3A_241 = arith.constant 0 : i32
    %dma_wait3A_242 = arith.constant 0 : i32
    %dma_wait3A_243 = tpu.memref_slice %arg6[%dma_wait3A_241, %dma_wait3A_242] : memref<100000x128xf32, #tpu.memory_space<hbm>> -> memref<100000x128xf32, #tpu.memory_space<hbm>>
    tpu.wait_indirect_dma semaphore(%arg22 : memref<!tpu.dma_semaphore, #tpu.memory_space<semaphore_mem>>) src(%dma_wait3A_243 : memref<100000x128xf32, #tpu.memory_space<hbm>>) dst(%arg19 : memref<64x128xf32, #tpu.memory_space<vmem>>)
    %dma_wait3A_244 = arith.constant 192 : i32
    %dma_wait3A_245 = tpu.memref_slice %arg13[%dma_wait3A_244] : memref<256xi32, #tpu.memory_space<vmem>> -> memref<64xi32, #tpu.memory_space<vmem>>
    %dma_wait3A_246 = arith.constant 0 : i32
    %dma_wait3A_247 = arith.constant 0 : i32
    %dma_wait3A_248 = tpu.memref_slice %arg7[%dma_wait3A_246, %dma_wait3A_247] : memref<100000x128xf32, #tpu.memory_space<hbm>> -> memref<100000x128xf32, #tpu.memory_space<hbm>>
    tpu.wait_indirect_dma semaphore(%arg22 : memref<!tpu.dma_semaphore, #tpu.memory_space<semaphore_mem>>) src(%dma_wait3A_248 : memref<100000x128xf32, #tpu.memory_space<hbm>>) dst(%arg21 : memref<64x128xf32, #tpu.memory_space<vmem>>)
    %add3A_249 = arith.constant 192 : i32
    %add3A_250 = arith.addi %mul3A_2, %add3A_249 : i32
    %dma_start3A_251 = arith.constant 0 : i32
    %dma_start3A_252 = tpu.memref_slice %arg8[%add3A_250, %dma_start3A_251] : memref<8192x128xf32, #tpu.memory_space<hbm>> -> memref<64x128xf32, #tpu.memory_space<hbm>>
    %dma_start3A_253 = arith.constant 0 : i32
    %dma_start3A_254 = tpu.memref_slice %arg8[%add3A_250, %dma_start3A_253] : memref<8192x128xf32, #tpu.memory_space<hbm>> -> memref<64x128xf32, #tpu.memory_space<hbm>>
    tpu.enqueue_dma source(%arg15 : memref<64x128xf32, #tpu.memory_space<vmem>>) target(%dma_start3A_254 : memref<64x128xf32, #tpu.memory_space<hbm>>) target_semaphore(%arg23 : memref<!tpu.dma_semaphore, #tpu.memory_space<semaphore_mem>>)
    %dma_start3A_255 = arith.constant 0 : i32
    %dma_start3A_256 = tpu.memref_slice %arg9[%add3A_250, %dma_start3A_255] : memref<8192x128xf32, #tpu.memory_space<hbm>> -> memref<64x128xf32, #tpu.memory_space<hbm>>
    %dma_start3A_257 = arith.constant 0 : i32
    %dma_start3A_258 = tpu.memref_slice %arg9[%add3A_250, %dma_start3A_257] : memref<8192x128xf32, #tpu.memory_space<hbm>> -> memref<64x128xf32, #tpu.memory_space<hbm>>
    tpu.enqueue_dma source(%arg17 : memref<64x128xf32, #tpu.memory_space<vmem>>) target(%dma_start3A_258 : memref<64x128xf32, #tpu.memory_space<hbm>>) target_semaphore(%arg23 : memref<!tpu.dma_semaphore, #tpu.memory_space<semaphore_mem>>)
    %dma_start3A_259 = arith.constant 0 : i32
    %dma_start3A_260 = tpu.memref_slice %arg10[%add3A_250, %dma_start3A_259] : memref<8192x128xf32, #tpu.memory_space<hbm>> -> memref<64x128xf32, #tpu.memory_space<hbm>>
    %dma_start3A_261 = arith.constant 0 : i32
    %dma_start3A_262 = tpu.memref_slice %arg10[%add3A_250, %dma_start3A_261] : memref<8192x128xf32, #tpu.memory_space<hbm>> -> memref<64x128xf32, #tpu.memory_space<hbm>>
    tpu.enqueue_dma source(%arg19 : memref<64x128xf32, #tpu.memory_space<vmem>>) target(%dma_start3A_262 : memref<64x128xf32, #tpu.memory_space<hbm>>) target_semaphore(%arg23 : memref<!tpu.dma_semaphore, #tpu.memory_space<semaphore_mem>>)
    %dma_start3A_263 = arith.constant 0 : i32
    %dma_start3A_264 = tpu.memref_slice %arg11[%add3A_250, %dma_start3A_263] : memref<8192x128xf32, #tpu.memory_space<hbm>> -> memref<64x128xf32, #tpu.memory_space<hbm>>
    %dma_start3A_265 = arith.constant 0 : i32
    %dma_start3A_266 = tpu.memref_slice %arg11[%add3A_250, %dma_start3A_265] : memref<8192x128xf32, #tpu.memory_space<hbm>> -> memref<64x128xf32, #tpu.memory_space<hbm>>
    tpu.enqueue_dma source(%arg21 : memref<64x128xf32, #tpu.memory_space<vmem>>) target(%dma_start3A_266 : memref<64x128xf32, #tpu.memory_space<hbm>>) target_semaphore(%arg23 : memref<!tpu.dma_semaphore, #tpu.memory_space<semaphore_mem>>)
    %dma_wait3A_267 = arith.constant 0 : i32
    %dma_wait3A_268 = tpu.memref_slice %arg8[%add3A_212, %dma_wait3A_267] : memref<8192x128xf32, #tpu.memory_space<hbm>> -> memref<64x128xf32, #tpu.memory_space<hbm>>
    %dma_wait3A_269 = arith.constant 0 : i32
    %dma_wait3A_270 = tpu.memref_slice %arg8[%add3A_212, %dma_wait3A_269] : memref<8192x128xf32, #tpu.memory_space<hbm>> -> memref<64x128xf32, #tpu.memory_space<hbm>>
    tpu.wait_dma2 semaphore(%arg23 : memref<!tpu.dma_semaphore, #tpu.memory_space<semaphore_mem>>) src(%arg14 : memref<64x128xf32, #tpu.memory_space<vmem>>) dst(%dma_wait3A_270 : memref<64x128xf32, #tpu.memory_space<hbm>>)
    %dma_wait3A_271 = arith.constant 0 : i32
    %dma_wait3A_272 = tpu.memref_slice %arg9[%add3A_212, %dma_wait3A_271] : memref<8192x128xf32, #tpu.memory_space<hbm>> -> memref<64x128xf32, #tpu.memory_space<hbm>>
    %dma_wait3A_273 = arith.constant 0 : i32
    %dma_wait3A_274 = tpu.memref_slice %arg9[%add3A_212, %dma_wait3A_273] : memref<8192x128xf32, #tpu.memory_space<hbm>> -> memref<64x128xf32, #tpu.memory_space<hbm>>
    tpu.wait_dma2 semaphore(%arg23 : memref<!tpu.dma_semaphore, #tpu.memory_space<semaphore_mem>>) src(%arg16 : memref<64x128xf32, #tpu.memory_space<vmem>>) dst(%dma_wait3A_274 : memref<64x128xf32, #tpu.memory_space<hbm>>)
    %dma_wait3A_275 = arith.constant 0 : i32
    %dma_wait3A_276 = tpu.memref_slice %arg10[%add3A_212, %dma_wait3A_275] : memref<8192x128xf32, #tpu.memory_space<hbm>> -> memref<64x128xf32, #tpu.memory_space<hbm>>
    %dma_wait3A_277 = arith.constant 0 : i32
    %dma_wait3A_278 = tpu.memref_slice %arg10[%add3A_212, %dma_wait3A_277] : memref<8192x128xf32, #tpu.memory_space<hbm>> -> memref<64x128xf32, #tpu.memory_space<hbm>>
    tpu.wait_dma2 semaphore(%arg23 : memref<!tpu.dma_semaphore, #tpu.memory_space<semaphore_mem>>) src(%arg18 : memref<64x128xf32, #tpu.memory_space<vmem>>) dst(%dma_wait3A_278 : memref<64x128xf32, #tpu.memory_space<hbm>>)
    %dma_wait3A_279 = arith.constant 0 : i32
    %dma_wait3A_280 = tpu.memref_slice %arg11[%add3A_212, %dma_wait3A_279] : memref<8192x128xf32, #tpu.memory_space<hbm>> -> memref<64x128xf32, #tpu.memory_space<hbm>>
    %dma_wait3A_281 = arith.constant 0 : i32
    %dma_wait3A_282 = tpu.memref_slice %arg11[%add3A_212, %dma_wait3A_281] : memref<8192x128xf32, #tpu.memory_space<hbm>> -> memref<64x128xf32, #tpu.memory_space<hbm>>
    tpu.wait_dma2 semaphore(%arg23 : memref<!tpu.dma_semaphore, #tpu.memory_space<semaphore_mem>>) src(%arg20 : memref<64x128xf32, #tpu.memory_space<vmem>>) dst(%dma_wait3A_282 : memref<64x128xf32, #tpu.memory_space<hbm>>)
    %dma_wait3A_283 = arith.constant 0 : i32
    %dma_wait3A_284 = tpu.memref_slice %arg8[%add3A_250, %dma_wait3A_283] : memref<8192x128xf32, #tpu.memory_space<hbm>> -> memref<64x128xf32, #tpu.memory_space<hbm>>
    %dma_wait3A_285 = arith.constant 0 : i32
    %dma_wait3A_286 = tpu.memref_slice %arg8[%add3A_250, %dma_wait3A_285] : memref<8192x128xf32, #tpu.memory_space<hbm>> -> memref<64x128xf32, #tpu.memory_space<hbm>>
    tpu.wait_dma2 semaphore(%arg23 : memref<!tpu.dma_semaphore, #tpu.memory_space<semaphore_mem>>) src(%arg15 : memref<64x128xf32, #tpu.memory_space<vmem>>) dst(%dma_wait3A_286 : memref<64x128xf32, #tpu.memory_space<hbm>>)
    %dma_wait3A_287 = arith.constant 0 : i32
    %dma_wait3A_288 = tpu.memref_slice %arg9[%add3A_250, %dma_wait3A_287] : memref<8192x128xf32, #tpu.memory_space<hbm>> -> memref<64x128xf32, #tpu.memory_space<hbm>>
    %dma_wait3A_289 = arith.constant 0 : i32
    %dma_wait3A_290 = tpu.memref_slice %arg9[%add3A_250, %dma_wait3A_289] : memref<8192x128xf32, #tpu.memory_space<hbm>> -> memref<64x128xf32, #tpu.memory_space<hbm>>
    tpu.wait_dma2 semaphore(%arg23 : memref<!tpu.dma_semaphore, #tpu.memory_space<semaphore_mem>>) src(%arg17 : memref<64x128xf32, #tpu.memory_space<vmem>>) dst(%dma_wait3A_290 : memref<64x128xf32, #tpu.memory_space<hbm>>)
    %dma_wait3A_291 = arith.constant 0 : i32
    %dma_wait3A_292 = tpu.memref_slice %arg10[%add3A_250, %dma_wait3A_291] : memref<8192x128xf32, #tpu.memory_space<hbm>> -> memref<64x128xf32, #tpu.memory_space<hbm>>
    %dma_wait3A_293 = arith.constant 0 : i32
    %dma_wait3A_294 = tpu.memref_slice %arg10[%add3A_250, %dma_wait3A_293] : memref<8192x128xf32, #tpu.memory_space<hbm>> -> memref<64x128xf32, #tpu.memory_space<hbm>>
    tpu.wait_dma2 semaphore(%arg23 : memref<!tpu.dma_semaphore, #tpu.memory_space<semaphore_mem>>) src(%arg19 : memref<64x128xf32, #tpu.memory_space<vmem>>) dst(%dma_wait3A_294 : memref<64x128xf32, #tpu.memory_space<hbm>>)
    %dma_wait3A_295 = arith.constant 0 : i32
    %dma_wait3A_296 = tpu.memref_slice %arg11[%add3A_250, %dma_wait3A_295] : memref<8192x128xf32, #tpu.memory_space<hbm>> -> memref<64x128xf32, #tpu.memory_space<hbm>>
    %dma_wait3A_297 = arith.constant 0 : i32
    %dma_wait3A_298 = tpu.memref_slice %arg11[%add3A_250, %dma_wait3A_297] : memref<8192x128xf32, #tpu.memory_space<hbm>> -> memref<64x128xf32, #tpu.memory_space<hbm>>
    tpu.wait_dma2 semaphore(%arg23 : memref<!tpu.dma_semaphore, #tpu.memory_space<semaphore_mem>>) src(%arg21 : memref<64x128xf32, #tpu.memory_space<vmem>>) dst(%dma_wait3A_298 : memref<64x128xf32, #tpu.memory_space<hbm>>)
    return
  }
}

</mosaic_0001>

<sc_bundles>
// kernel: _sc_gather.3.cloned.1.call-start
scs
__scs_entry_jumppad:
0x0: {  	(pc) =	sbr.rel $0x88, $3  }
0x1: {  	(tag) =	ssettag $0x0;
	lr =	simm.s32 $0x1  }
0x2: {  	[smem:$0x3F9B] =	sst lr;
	_ =	strace $0xD0000000  }
0x3: {  	_ = 	snop  }
0x4: {  	_ = 	snop  }
0x5: {  	_ = 	snop  }
0x6: {  	_ = 	snop  }
0x7: {  	_ = 	snop  }
__scs_overlays_trampoline_lowered:
0x8: {  	[smem:$0x3FAA] =	sst s0  }
0x9: {  	[smem:$0x3FAB] =	sst s1  }
0xa: {  	[smem:$0x3FAC] =	sst s2  }
0xb: {  	[smem:$0x3FAD] =	sst s3  }
0xc: {  	[smem:$0x3FAE] =	sst s4  }
0xd: {  	[smem:$0x3FAF] =	sst s5  }
0xe: {  	[smem:$0x3FB0] =	sst s6  }
0xf: {  	[smem:$0x3FB1] =	sst s7  }
0x10: {  	[smem:$0x3FB2] =	sst s8  }
0x11: {  	[smem:$0x3FB3] =	sst s9;
	s0 =	simm.s32 @!p0 $0x0  }
0x12: {  	s1 =	sld [smem:$0x3F99];
	s0 =	simm.s32 @p0 $0x1  }
0x13: {  	[smem:$0x3FB4] =	sst s0;
	s0 =	simm.s32 @!p1 $0x0  }
0x14: {  	s2 =	sld [smem:$0x3F98];
	s0 =	simm.s32 @p1 $0x1  }
0x15: {  	[smem:$0x3FB5] =	sst s0;
	s0 =	simm.s32 @!p2 $0x0  }
0x16: {  	s3 =	sld [smem:$0x3FDB];
	s0 =	simm.s32 @p2 $0x1  }
0x17: {  	s4 =	simm.s32 $0x1BF5;
	[smem:$0x3FB7] =	sst s0  }
0x18: {  	s0 =	sld [smem:$0x3F9A];
	_ =	swait.ge [sflag:s4], $0x0  }
0x19: {  	s7 =	sld [smem:$0x3F9B]  }
0x1a: {  	s8 =	sadd.s32 $0xFFFFE003, lr  }
0x1b: {  	s9 =	sadd.s32 $0xFFFFFEF7, lr;
	s5 =	simm.s32 $0xFFFFFFFF;
	p2 =	slt.u32 s8, $0xFFFFF086  }
0x1c: {  	p1 =	slt.u32 s9, $0xF7A;
	s5 =	simm.s32 @!p2 $0x0  }
0x1d: {  	s5 =	simm.s32 @p1 $0x1;
	p0 =	seq.s32 s7, s2  }
0x1e: {  	s7 =	smul.u32 @!p0 $0xF7A, s2;
	p2 =	seq.s32 @!p0 s5, $0x0  }
0x1f: {  	s9 =	smul.u32 $0xF7A, s1;
	s8 =	simm.s32 @!p0 $0x1BF5;
	p2 =	por !p2, p0  }
0x20: {  	[sflag:s8] =	ssyncset.s32 @!p0 $0xFFFFF086;
	s6 =	sadd.s32 @!p0 s3, s7;
	s7 =	simm.s32 @!p0 $0x108  }
0x21: {  	s3 =	sadd.s32 s3, s9;
	s6 =	sadd.s32 @!p0 $0x88, s6;
	s7 =	simm.s32 @p2 $0x1082  }
0x22: {  	[simem:s7], [sflag:s8] =	dma.local @!p0 [hbm:s6], $0xF7A  }
0x23: {  	s9 =	sor.u32 $0xD0000000, s2;
	s6 =	simm.s32 $0x108;
	_ =	swait.ge @!p0 [sflag:s8], $0x0  }
0x24: {  	s3 =	sadd.s32 $0x88, s3;
	s6 =	simm.s32 @!p1 $0x1082;
	[sflag:s4] =	ssyncset.s32 $0xFFFFF086  }
0x25: {  	[simem:s6], [sflag:s4] =	dma.local [hbm:s3], $0xF7A  }
0x26: {  	[smem:$0x3F9B] =	sst s1;
	(tag) =	ssettag s2;
	_ =	strace s9  }
0x27: {  	s1 =	sld [smem:$0x3FAB]  }
0x28: {  	s2 =	sld [smem:$0x3FAC]  }
0x29: {  	s4 =	sld [smem:$0x3FAE]  }
0x2a: {  	p0 =	seq.s32 s5, $0x0;
	s5 =	sld [smem:$0x3FAF]  }
0x2b: {  	s6 =	sld [smem:$0x3FB0]  }
0x2c: {  	s7 =	sld [smem:$0x3FB1]  }
0x2d: {  	s3 =	simm.s32 $0x108;
	s8 =	sld [smem:$0x3FB2]  }
0x2e: {  	s3 =	simm.s32 @!p0 $0x1082;
	s9 =	sld [smem:$0x3FB3]  }
0x2f: {  	lr =	sadd.s32 s0, s3;
	s0 =	sld [smem:$0x3FAA]  }
0x30: {  	s3 =	sld [smem:$0x3FAD]  }
0x31: {  	[smem:$0x3FB6] =	sst s10  }
0x32: {  	s10 =	sld [smem:$0x3FB4];
	_ =	sdelay $0x3  }
0x33: {  	p0 =	seq.s32 s10, $0x1;
	s10 =	sld [smem:$0x3FB6];
	_ =	sdelay $0x3  }
0x34: {  	[smem:$0x3FB6] =	sst s10  }
0x35: {  	s10 =	sld [smem:$0x3FB5];
	_ =	sdelay $0x3  }
0x36: {  	p1 =	seq.s32 s10, $0x1;
	s10 =	sld [smem:$0x3FB6];
	_ =	sdelay $0x3  }
0x37: {  	[smem:$0x3FB6] =	sst s10  }
0x38: {  	s10 =	sld [smem:$0x3FB7]  }
0x39: {  	_ = 	snop;
	(pc) =	sbr.ind lr, $3  }
0x3a: {  	_ = 	snop  }
0x3b: {  	_ = 	snop  }
0x3c: {  	p2 =	seq.s32 s10, $0x1;
	s10 =	sld [smem:$0x3FB6]  }
0x3d: {  	_ =	shalt  }
0x3e: {  	_ =	shalt  }
0x3f: {  	_ =	shalt  }
0x40: {  	_ =	shalt  }
0x41: {  	_ =	shalt  }
0x42: {  	_ =	shalt  }
0x43: {  	_ =	shalt  }
0x44: {  	_ =	shalt  }
0x45: {  	_ =	shalt  }
0x46: {  	_ =	shalt  }
0x47: {  	_ =	shalt  }
0x48: {  	_ =	shalt  }
0x49: {  	_ =	shalt  }
0x4a: {  	_ =	shalt  }
0x4b: {  	_ =	shalt  }
0x4c: {  	_ =	shalt  }
0x4d: {  	_ =	shalt  }
0x4e: {  	_ =	shalt  }
0x4f: {  	_ =	shalt  }
0x50: {  	_ =	shalt  }
0x51: {  	_ =	shalt  }
0x52: {  	_ =	shalt  }
0x53: {  	_ =	shalt  }
0x54: {  	_ =	shalt  }
0x55: {  	_ =	shalt  }
0x56: {  	_ =	shalt  }
0x57: {  	_ =	shalt  }
0x58: {  	_ =	shalt  }
0x59: {  	_ =	shalt  }
0x5a: {  	_ =	shalt  }
0x5b: {  	_ =	shalt  }
0x5c: {  	_ =	shalt  }
0x5d: {  	_ =	shalt  }
0x5e: {  	_ =	shalt  }
0x5f: {  	_ =	shalt  }
0x60: {  	_ =	shalt  }
0x61: {  	_ =	shalt  }
0x62: {  	_ =	shalt  }
0x63: {  	_ =	shalt  }
0x64: {  	_ =	shalt  }
0x65: {  	_ =	shalt  }
0x66: {  	_ =	shalt  }
0x67: {  	_ =	shalt  }
0x68: {  	_ =	shalt  }
0x69: {  	_ =	shalt  }
0x6a: {  	_ =	shalt  }
0x6b: {  	_ =	shalt  }
0x6c: {  	_ =	shalt  }
0x6d: {  	_ =	shalt  }
0x6e: {  	_ =	shalt  }
0x6f: {  	_ =	shalt  }
0x70: {  	_ =	shalt  }
0x71: {  	_ =	shalt  }
0x72: {  	_ =	shalt  }
0x73: {  	_ =	shalt  }
0x74: {  	_ =	shalt  }
0x75: {  	_ =	shalt  }
0x76: {  	_ =	shalt  }
0x77: {  	_ =	shalt  }
0x78: {  	_ =	shalt  }
0x79: {  	_ =	shalt  }
0x7a: {  	_ =	shalt  }
0x7b: {  	_ =	shalt  }
0x7c: {  	_ =	shalt  }
0x7d: {  	_ =	shalt  }
0x7e: {  	_ =	shalt  }
0x7f: {  	_ =	shalt  }
0x80: {  	_ =	shalt  }
0x81: {  	_ =	shalt  }
0x82: {  	_ =	shalt  }
0x83: {  	_ =	shalt  }
0x84: {  	_ =	shalt  }
0x85: {  	_ =	shalt  }
0x86: {  	_ =	shalt  }
0x87: {  	_ =	shalt  }
.Lfunc_end0:
.L_simem_size_0:
called_computation_lowered:
.L_overlay_start_0:
0x88: {  	s2 =	sld [smem:$0x3FD9]  }
0x89: {  	s3 =	sld [smem:$0x3FFE];
	_ =	sdelay $0x1  }
0x8a: {  	s1 =	srdreg.scid  }
0x8b: {  	s0 =	sand.u32 $0x1, s1  }
0x8c: {  	s30 =	sshll.u32 s0, $0xA;
	s2 =	sadd.s32 s3, s2  }
0x8d: {  	s2 =	sadd.s32 s2, s30  }
0x8e: {  	[smem:$0x3FC2] =	sst s2  }
0x8f: {  	_ = 	snop  }
0x90: {  	s2 =	sld [smem:$0x3FC9]  }
0x91: {  	s31 =	sld [smem:$0x3FC8]  }
0x92: {  	s4 =	sld [smem:$0x3FC7]  }
0x93: {  	s5 =	sld [smem:$0x3FD0]  }
0x94: {  	s6 =	sld [smem:$0x3FC6]  }
0x95: {  	s7 =	sld [smem:$0x3FC5]  }
0x96: {  	s9 =	simm.s32 $0xA;
	s10 =	simm.s32 $0x10;
	s8 =	sld [smem:$0x3FC4]  }
0x97: {  	[smem:s10], [sflag:s9] =	dma.local [hbm:s5], $0x1  }
0x98: {  	_ =	swait.eq [sflag:s9], $0x1  }
0x99: {  	s17 =	sld [smem:$0x10]  }
0x9a: {  	s18 =	sld [smem:$0x11];
	[sflag:s9] =	ssyncset.done $0x0  }
0x9b: {  	s11 =	sld [smem:$0x12];
	[sflag:s9] =	ssyncadd.s32 $0xFFFFFFFF  }
0x9c: {  	s19 =	sld [smem:$0x13];
	(tm) =	ssettm $0x1  }
0x9d: {  	s12 =	sld [smem:$0x3FFB];
	_ =	sdelay $0x3  }
0x9e: {  	_ =	strace s12  }
0x9f: {  	s12 =	sld [smem:$0x3FFC];
	_ =	sdelay $0x3  }
0xa0: {  	_ =	strace s12  }
0xa1: {  	s12 =	sld [smem:$0x3FFD];
	_ =	sdelay $0x3  }
0xa2: {  	_ =	strace s12  }
0xa3: {  	_ =	strace $0x8FFFFFFF  }
0xa4: {  	s20 =	sld [smem:$0x3FDB];
	_ =	sdelay $0x1  }
0xa5: {  	s13 =	simm.s32 $_scs_section_size  }
0xa6: {  	s14 =	simm.s32 $_size__tile_overlayer_lowered;
	s15 =	simm.s32 $_tile_overlayer_lowered  }
0xa7: {  	s23 =	simm.s32 $0x1BFF;
	s22 =	sshll.u32 s15, $0x1;
	s12 =	sadd.s32 s13, s20  }
0xa8: {  	s16 =	simm.s32 $0x0;
	s21 =	sshll.u32 s14, $0x1;
	s14 =	sadd.s32 s22, s12  }
0xa9: {  	[timem:s16], [sflag:s23] =	dma.local [hbm:s14], s21  }
0xaa: {  	_ =	swait.ge [sflag:s23], s21  }
0xab: {  	s13 =	ssub.s32 $0x0, s21;
	[sflag:s23] =	ssyncset.done $0x0  }
0xac: {  	[sflag:s23] =	ssyncadd.s32 s13;
	_ =	sdelay $0x1  }
0xad: {  	s24 =	simm.s32 $0x1B8B  }
0xae: {  	_ =	swait.ge [sflag:s24], $0x1  }
0xaf: {  	[sflag:s24] =	ssyncset.done $0x0  }
0xb0: {  	s25 =	simm.s32 $0x1B8E;
	[sflag:s24] =	ssyncadd.s32 $0xFFFFFFFF  }
0xb1: {  	s26 =	simm.s32 $execute0_lowered;
	[smem:$0x3FD2] =	sst s25  }
0xb2: {  	s13 =	sshll.u32 s26, $0x1;
	_ =	strace $0x80000046;
	[dreg:$0x1] =	wrdreg $0xFFFFFFFF  }
0xb3: {  	s28 =	simm.s32 $_size_execute0_lowered;
	s12 =	sadd.s32 s12, s13;
	[dreg:$0x0] =	wrdreg $0x0  }
0xb4: {  	s13 =	sshll.u32 s28, $0x1;
	[dreg:$0x2] =	wrdreg s12  }
0xb5: {  	[dreg:$0x3] =	wrdreg s13  }
0xb6: {  	[dreg:$0x4] =	wrdreg $0xC0  }
0xb7: {  	_ =	task [dreg:s16], $0x5FFFF  }
0xb8: {  	[dreg:$0x1] =	wrdreg $0xFFFFFFFF  }
0xb9: {  	[dreg:$0x0] =	wrdreg $0x60  }
0xba: {  	[dreg:$0x2] =	wrdreg s2  }
0xbb: {  	[dreg:$0x3] =	wrdreg s31  }
0xbc: {  	[dreg:$0x4] =	wrdreg s4  }
0xbd: {  	[dreg:$0x5] =	wrdreg s6  }
0xbe: {  	[dreg:$0x6] =	wrdreg s7  }
0xbf: {  	[dreg:$0x7] =	wrdreg s8  }
0xc0: {  	[dreg:$0x8] =	wrdreg s17  }
0xc1: {  	[dreg:$0x9] =	wrdreg s18  }
0xc2: {  	[dreg:$0xa] =	wrdreg s11  }
0xc3: {  	[dreg:$0xb] =	wrdreg s19  }
0xc4: {  	[dreg:$0xc] =	wrdreg $0x9  }
0xc5: {  	_ =	task.clear_ibuf [dreg:s16], $0xDFFFF;
	_ =	strace $0x90000046  }
0xc6: {  	s29 =	simm.s32 $0x9;
	_ =	strace $0x80000048  }
0xc7: {  	_ =	swait.ge [sflag:s29], $0x1  }
0xc8: {  	[sflag:s29] =	ssyncadd.s32 $0xFFFFFFFF  }
0xc9: {  	_ =	strace $0x90000048  }
0xca: {  	_ =	sfence  }
0xcb: {  	s30 =	sld [smem:$0x0];
	_ =	sdelay $0x2  }
0xcc: {  	s31 =	sshll.u32 s1, $0xD;
	s1 =	sshrl.u32 s1, $0x2  }
0xcd: {  	s3 =	sand.u32 $0x4000, s31;
	s1 =	sadd.s32 s1, s30  }
0xce: {  	s0 =	sor.u32 s3, s0;
	s1 =	sshll.u32 s1, $0x11  }
0xcf: {  	s0 =	sor.u32 s1, s0  }
0xd0: {  	s0 =	sadd.s32 $0x8F2B, s0  }
0xd1: {  	[sflag:s0] =	ssyncadd.remote.s32 $0x1  }
0xd2: {  	_ =	sfence.sel $0xFFFF  }
0xd3: {  	[dreg:$0x0] =	wrdreg $0xFFFFFFFF;
	(pc) =	sbr.abs _section_cstart, $3  }
0xd4: {  	[dreg:$0x1] =	wrdreg $0xFFFFFFFF  }
0xd5: {  	_ =	task.clear_ibuf [dreg:s16], $0x2FFFF;
	_ =	strace $0x9FFFFFFF  }
0xd6: {  	(tm) =	ssettm $0x7FFFFFFF  }
0xd7: {  	_ =	shalt  }
tec
execute0_lowered:
.L_overlay_start_1:
0x0: {  	(tag) =	ssettag $0x1  }
0x1: {  	s0 =	rddreg [dreg:$0x0]  }
0x2: {  	s1 =	rddreg [dreg:$0x1]  }
0x3: {  	s3 =	rddreg [dreg:$0x2]  }
0x4: {  	s4 =	rddreg [dreg:$0x3]  }
0x5: {  	s5 =	rddreg [dreg:$0x4]  }
0x6: {  	s6 =	rddreg [dreg:$0x5]  }
0x7: {  	s7 =	rddreg [dreg:$0x6]  }
0x8: {  	s9 =	rddreg [dreg:$0x7];
	s2 =	srdreg.scid  }
0x9: {  	s10 =	rddreg [dreg:$0x8];
	s12 =	stileid.u32;
	s8 =	sand.u32 $0x1, s2  }
0xa: {  	s11 =	rddreg [dreg:$0x9];
	s12 =	sshll.u32 s12, $0x9;
	s13 =	sshll.u32 s8, $0x8  }
0xb: {  	s30 =	simm.s32 $0x3;
	s2 =	simm.s32 $0x0;
	s12 =	sor.u32 s13, s12  }
0xc: {  	s29 =	simm.s32 $0x100;
	[smem:$0x7FF] =	sst s2;
	s13 =	sshrl.u32 s12, $0x3  }
0xd: {  	p0 =	por $0x0, $0x0;
	_ =	strace $0x80000047;
	s0 =	sadd.s32 s0, s13  }
0xe: {  	s26 =	sshll.u32 s12, $0x4;
	s25 =	sadd.s32 s1, s13;
	[dreg:$0xb] =	wrdreg s0  }
0xf: {  	s28 =	simm.s32 $0x180;
	s13 =	sadd.s32 s7, s26;
	[dreg:$0xc] =	wrdreg s25  }
0x10: {  	s8 =	ssub.s32 $0x2, s8;
	s14 =	sadd.s32 s9, s26;
	[dreg:$0xd] =	wrdreg s13  }
0x11: {  	s23 =	sshrl.u32 s8, $0x1;
	s15 =	sadd.s32 s10, s26;
	[dreg:$0xe] =	wrdreg s14  }
0x12: {  	s16 =	sadd.s32 s11, s26;
	s12 =	sor.u32 $0x400, s26;
	[dreg:$0xf] =	wrdreg s15  }
0x13: {  	s21 =	sor.u32 $0x800, s26;
	s1 =	simm.s32 $0x140;
	[dreg:$0x10] =	wrdreg s16  }
0x14: {  	s17 =	sadd.s32 s7, s12;
	s18 =	sadd.s32 s9, s12;
	s19 =	sadd.s32 s10, s12  }
0x15: {  	s20 =	sadd.s32 s11, s12;
	s22 =	sadd.s32 s7, s21;
	[dreg:$0x11] =	wrdreg s17  }
0x16: {  	s24 =	sadd.s32 s9, s21;
	s14 =	ssub.s32 s8, s23;
	[dreg:$0x12] =	wrdreg s18  }
0x17: {  	s12 =	sadd.s32 s10, s21;
	s13 =	sadd.s32 s11, s21;
	[dreg:$0x13] =	wrdreg s19  }
0x18: {  	s25 =	sor.u32 $0xC00, s26;
	s23 =	simm.s32 $0x40;
	[dreg:$0x14] =	wrdreg s20  }
0x19: {  	s21 =	simm.s32 $0x8200;
	s15 =	simm.s32 $0x6200;
	[dreg:$0x15] =	wrdreg s22  }
0x1a: {  	s16 =	simm.s32 $0xA200;
	[dreg:$0x16] =	wrdreg s24;
	s26 =	smax.u32 s14, $0x1  }
0x1b: {  	s8 =	sadd.s32 s7, s25;
	s9 =	sadd.s32 s9, s25;
	p1 =	sne.s32 s26, $0x1  }
.Ltmp0:
0x1c: {  	s10 =	sadd.s32 s10, s25;
	s11 =	sadd.s32 s11, s25;
	(pc) =	sbr.rel @!p1 .LBB2_5-.Ltmp0, $4  }
0x1d: {  	s19 =	simm.s32 $0x200;
	s20 =	simm.s32 $0x4200;
	s22 =	simm.s32 $0xC200  }
0x1e: {  	s14 =	simm.s32 $0x2200;
	s17 =	simm.s32 $0xE200;
	s18 =	simm.s32 $0x1  }
0x1f: {  	s7 =	simm.s32 $0x2;
	s24 =	simm.s32 $0xC0;
	s25 =	simm.s32 $0x1C0  }
0x20: {  	s0 =	rddreg [dreg:$0xb];
	s31 =	sadd.s32 $0xFFFFFFFF, s26;
	s26 =	simm.s32 $0x80  }
0x21: {  	[tilespmem:s2], [sflag:$0x3] =	stream.linear.gather [hbm4b:s0+s2], $0x100, $0x38;
	[tilespmem:$0x10200] =	vst v63  }
0x22: {  	_ =	swait.ge [sflag:s30], $0x100  }
0x23: {  	[sflag:s30] =	ssyncset.done $0x0  }
0x24: {  	s0 =	rddreg [dreg:$0xc];
	[sflag:s30] =	ssyncadd.s32 $0xFFFFFF00  }
0x25: {  	[tilespmem:s29], [sflag:$0x3] =	stream.linear.gather [hbm4b:s0+s2], $0x100, $0x38;
	[tilespmem:$0x10200] =	vst v63  }
0x26: {  	_ =	swait.ge [sflag:s30], $0x100  }
0x27: {  	[sflag:s30] =	ssyncset.done $0x0  }
0x28: {  	[sflag:s30] =	ssyncadd.s32 $0xFFFFFF00  }
0x29: {  	[tilespmem:s19], [sflag:$0x1] =	stream.indirect.gather [hbm4b:s3+s23], $0x80, s2, s23, $0xb8;
	[tilespmem:$0x10200] =	vst v63  }
0x2a: {  	_ = 	snop  }
0x2b: {  	[tilespmem:s20], [sflag:$0x1] =	stream.indirect.gather [hbm4b:s4+s23], $0x80, s29, s23, $0xb8;
	[tilespmem:$0x10200] =	vst v63  }
0x2c: {  	_ = 	snop  }
0x2d: {  	[tilespmem:s21], [sflag:$0x1] =	stream.indirect.gather [hbm4b:s5+s23], $0x80, s2, s23, $0xb8;
	[tilespmem:$0x10200] =	vst v63  }
0x2e: {  	_ = 	snop  }
0x2f: {  	[tilespmem:s22], [sflag:$0x1] =	stream.indirect.gather [hbm4b:s6+s23], $0x80, s29, s23, $0xb8;
	[tilespmem:$0x10200] =	vst v63  }
0x30: {  	_ = 	snop  }
0x31: {  	[tilespmem:s14], [sflag:$0x1] =	stream.indirect.gather [hbm4b:s3+s23], $0x80, s23, s23, $0xb8;
	[tilespmem:$0x10200] =	vst v63  }
0x32: {  	_ = 	snop  }
0x33: {  	[tilespmem:s15], [sflag:$0x1] =	stream.indirect.gather [hbm4b:s4+s23], $0x80, s1, s23, $0xb8;
	[tilespmem:$0x10200] =	vst v63  }
0x34: {  	_ = 	snop  }
0x35: {  	[tilespmem:s16], [sflag:$0x1] =	stream.indirect.gather [hbm4b:s5+s23], $0x80, s23, s23, $0xb8;
	[tilespmem:$0x10200] =	vst v63  }
0x36: {  	_ = 	snop  }
0x37: {  	[tilespmem:s17], [sflag:$0x1] =	stream.indirect.gather [hbm4b:s6+s23], $0x80, s1, s23, $0xb8;
	[tilespmem:$0x10200] =	vst v63  }
0x38: {  	_ =	swait.ge [sflag:s18], $0x2000  }
0x39: {  	[sflag:s18] =	ssyncset.done $0x0  }
0x3a: {  	[sflag:s18] =	ssyncadd.s32 $0xFFFFE000  }
0x3b: {  	_ =	swait.ge [sflag:s18], $0x2000  }
0x3c: {  	[sflag:s18] =	ssyncset.done $0x0  }
0x3d: {  	[sflag:s18] =	ssyncadd.s32 $0xFFFFE000  }
0x3e: {  	_ =	swait.ge [sflag:s18], $0x2000  }
0x3f: {  	[sflag:s18] =	ssyncset.done $0x0  }
0x40: {  	[sflag:s18] =	ssyncadd.s32 $0xFFFFE000  }
0x41: {  	_ =	swait.ge [sflag:s18], $0x2000  }
0x42: {  	[sflag:s18] =	ssyncset.done $0x0  }
0x43: {  	s0 =	rddreg [dreg:$0xd];
	[sflag:s18] =	ssyncadd.s32 $0xFFFFE000  }
0x44: {  	[hbm4b:s0+s2] =	stream.linear.scatter [tilespmem:s19], [sflag:$0x2], $0x2000, $0x38;
	[tilespmem:$0x10200] =	vst v63  }
0x45: {  	s1 =	rddreg [dreg:$0xe]  }
0x46: {  	[hbm4b:s1+s2] =	stream.linear.scatter [tilespmem:s20], [sflag:$0x2], $0x2000, $0x38;
	[tilespmem:$0x10200] =	vst v63  }
0x47: {  	s0 =	rddreg [dreg:$0xf]  }
0x48: {  	[hbm4b:s0+s2] =	stream.linear.scatter [tilespmem:s21], [sflag:$0x2], $0x2000, $0x38;
	[tilespmem:$0x10200] =	vst v63  }
0x49: {  	s1 =	rddreg [dreg:$0x10]  }
0x4a: {  	[hbm4b:s1+s2] =	stream.linear.scatter [tilespmem:s22], [sflag:$0x2], $0x2000, $0x38;
	[tilespmem:$0x10200] =	vst v63  }
0x4b: {  	_ =	swait.ge [sflag:s7], $0x2000  }
0x4c: {  	[sflag:s7] =	ssyncset.done $0x0  }
0x4d: {  	[sflag:s7] =	ssyncadd.s32 $0xFFFFE000  }
0x4e: {  	_ =	swait.ge [sflag:s7], $0x2000  }
0x4f: {  	[sflag:s7] =	ssyncset.done $0x0  }
0x50: {  	[sflag:s7] =	ssyncadd.s32 $0xFFFFE000  }
0x51: {  	_ =	swait.ge [sflag:s7], $0x2000  }
0x52: {  	[sflag:s7] =	ssyncset.done $0x0  }
0x53: {  	[sflag:s7] =	ssyncadd.s32 $0xFFFFE000  }
0x54: {  	_ =	swait.ge [sflag:s7], $0x2000  }
0x55: {  	[sflag:s7] =	ssyncset.done $0x0  }
0x56: {  	[sflag:s7] =	ssyncadd.s32 $0xFFFFE000  }
0x57: {  	[tilespmem:s19], [sflag:$0x1] =	stream.indirect.gather [hbm4b:s3+s23], $0x80, s26, s23, $0xb8;
	[tilespmem:$0x10200] =	vst v63  }
0x58: {  	_ = 	snop  }
0x59: {  	[tilespmem:s20], [sflag:$0x1] =	stream.indirect.gather [hbm4b:s4+s23], $0x80, s28, s23, $0xb8;
	[tilespmem:$0x10200] =	vst v63  }
0x5a: {  	_ = 	snop  }
0x5b: {  	[tilespmem:s21], [sflag:$0x1] =	stream.indirect.gather [hbm4b:s5+s23], $0x80, s26, s23, $0xb8;
	[tilespmem:$0x10200] =	vst v63  }
0x5c: {  	_ = 	snop  }
0x5d: {  	[tilespmem:s22], [sflag:$0x1] =	stream.indirect.gather [hbm4b:s6+s23], $0x80, s28, s23, $0xb8;
	[tilespmem:$0x10200] =	vst v63  }
0x5e: {  	_ =	swait.ge [sflag:s18], $0x2000  }
0x5f: {  	[sflag:s18] =	ssyncset.done $0x0  }
0x60: {  	[sflag:s18] =	ssyncadd.s32 $0xFFFFE000  }
0x61: {  	_ =	swait.ge [sflag:s18], $0x2000  }
0x62: {  	[sflag:s18] =	ssyncset.done $0x0  }
0x63: {  	[sflag:s18] =	ssyncadd.s32 $0xFFFFE000  }
0x64: {  	_ =	swait.ge [sflag:s18], $0x2000  }
0x65: {  	[sflag:s18] =	ssyncset.done $0x0  }
0x66: {  	[sflag:s18] =	ssyncadd.s32 $0xFFFFE000  }
0x67: {  	_ =	swait.ge [sflag:s18], $0x2000  }
0x68: {  	[sflag:s18] =	ssyncset.done $0x0  }
0x69: {  	s1 =	rddreg [dreg:$0x11];
	[sflag:s18] =	ssyncadd.s32 $0xFFFFE000  }
0x6a: {  	[hbm4b:s1+s2] =	stream.linear.scatter [tilespmem:s14], [sflag:$0x2], $0x2000, $0x38;
	[tilespmem:$0x10200] =	vst v63  }
0x6b: {  	s26 =	rddreg [dreg:$0x12]  }
0x6c: {  	[hbm4b:s26+s2] =	stream.linear.scatter [tilespmem:s15], [sflag:$0x2], $0x2000, $0x38;
	[tilespmem:$0x10200] =	vst v63  }
0x6d: {  	s0 =	rddreg [dreg:$0x13]  }
0x6e: {  	[hbm4b:s0+s2] =	stream.linear.scatter [tilespmem:s16], [sflag:$0x2], $0x2000, $0x38;
	[tilespmem:$0x10200] =	vst v63  }
0x6f: {  	s26 =	rddreg [dreg:$0x14]  }
0x70: {  	[hbm4b:s26+s2] =	stream.linear.scatter [tilespmem:s17], [sflag:$0x2], $0x2000, $0x38;
	[tilespmem:$0x10200] =	vst v63  }
0x71: {  	_ =	swait.ge [sflag:s7], $0x2000  }
0x72: {  	[sflag:s7] =	ssyncset.done $0x0  }
0x73: {  	[sflag:s7] =	ssyncadd.s32 $0xFFFFE000  }
0x74: {  	_ =	swait.ge [sflag:s7], $0x2000  }
0x75: {  	[sflag:s7] =	ssyncset.done $0x0  }
0x76: {  	[sflag:s7] =	ssyncadd.s32 $0xFFFFE000  }
0x77: {  	_ =	swait.ge [sflag:s7], $0x2000  }
0x78: {  	[sflag:s7] =	ssyncset.done $0x0  }
0x79: {  	[sflag:s7] =	ssyncadd.s32 $0xFFFFE000  }
0x7a: {  	_ =	swait.ge [sflag:s7], $0x2000  }
0x7b: {  	[sflag:s7] =	ssyncset.done $0x0  }
0x7c: {  	[sflag:s7] =	ssyncadd.s32 $0xFFFFE000  }
0x7d: {  	[tilespmem:s14], [sflag:$0x1] =	stream.indirect.gather [hbm4b:s3+s23], $0x80, s24, s23, $0xb8;
	[tilespmem:$0x10200] =	vst v63  }
0x7e: {  	_ = 	snop  }
0x7f: {  	[tilespmem:s15], [sflag:$0x1] =	stream.indirect.gather [hbm4b:s4+s23], $0x80, s25, s23, $0xb8;
	[tilespmem:$0x10200] =	vst v63  }
0x80: {  	_ = 	snop  }
0x81: {  	[tilespmem:s16], [sflag:$0x1] =	stream.indirect.gather [hbm4b:s5+s23], $0x80, s24, s23, $0xb8;
	[tilespmem:$0x10200] =	vst v63  }
0x82: {  	_ = 	snop  }
0x83: {  	[tilespmem:s17], [sflag:$0x1] =	stream.indirect.gather [hbm4b:s6+s23], $0x80, s25, s23, $0xb8;
	[tilespmem:$0x10200] =	vst v63  }
0x84: {  	_ =	swait.ge [sflag:s18], $0x2000  }
0x85: {  	[sflag:s18] =	ssyncset.done $0x0  }
0x86: {  	[sflag:s18] =	ssyncadd.s32 $0xFFFFE000  }
0x87: {  	_ =	swait.ge [sflag:s18], $0x2000  }
0x88: {  	[sflag:s18] =	ssyncset.done $0x0  }
0x89: {  	[sflag:s18] =	ssyncadd.s32 $0xFFFFE000  }
0x8a: {  	_ =	swait.ge [sflag:s18], $0x2000  }
0x8b: {  	[sflag:s18] =	ssyncset.done $0x0  }
0x8c: {  	[sflag:s18] =	ssyncadd.s32 $0xFFFFE000  }
0x8d: {  	_ =	swait.ge [sflag:s18], $0x2000  }
0x8e: {  	[sflag:s18] =	ssyncset.done $0x0  }
0x8f: {  	s25 =	rddreg [dreg:$0x15];
	[sflag:s18] =	ssyncadd.s32 $0xFFFFE000  }
0x90: {  	[hbm4b:s25+s2] =	stream.linear.scatter [tilespmem:s19], [sflag:$0x2], $0x2000, $0x38;
	[tilespmem:$0x10200] =	vst v63  }
0x91: {  	s26 =	rddreg [dreg:$0x16]  }
0x92: {  	[hbm4b:s26+s2] =	stream.linear.scatter [tilespmem:s20], [sflag:$0x2], $0x2000, $0x38;
	[tilespmem:$0x10200] =	vst v63  }
0x93: {  	_ = 	snop  }
0x94: {  	[hbm4b:s12+s2] =	stream.linear.scatter [tilespmem:s21], [sflag:$0x2], $0x2000, $0x38;
	[tilespmem:$0x10200] =	vst v63  }
0x95: {  	_ = 	snop  }
0x96: {  	[hbm4b:s13+s2] =	stream.linear.scatter [tilespmem:s22], [sflag:$0x2], $0x2000, $0x38;
	[tilespmem:$0x10200] =	vst v63  }
0x97: {  	_ =	swait.ge [sflag:s18], $0x2000  }
0x98: {  	[sflag:s18] =	ssyncset.done $0x0  }
0x99: {  	[sflag:s18] =	ssyncadd.s32 $0xFFFFE000  }
0x9a: {  	_ =	swait.ge [sflag:s18], $0x2000  }
0x9b: {  	[sflag:s18] =	ssyncset.done $0x0  }
0x9c: {  	[sflag:s18] =	ssyncadd.s32 $0xFFFFE000  }
0x9d: {  	_ =	swait.ge [sflag:s18], $0x2000  }
0x9e: {  	[sflag:s18] =	ssyncset.done $0x0  }
0x9f: {  	[sflag:s18] =	ssyncadd.s32 $0xFFFFE000  }
0xa0: {  	_ =	swait.ge [sflag:s18], $0x2000  }
0xa1: {  	[sflag:s18] =	ssyncset.done $0x0  }
0xa2: {  	[sflag:s18] =	ssyncadd.s32 $0xFFFFE000  }
0xa3: {  	[hbm4b:s8+s2] =	stream.linear.scatter [tilespmem:s14], [sflag:$0x2], $0x2000, $0x38;
	[tilespmem:$0x10200] =	vst v63  }
0xa4: {  	_ = 	snop  }
0xa5: {  	[hbm4b:s9+s2] =	stream.linear.scatter [tilespmem:s15], [sflag:$0x2], $0x2000, $0x38;
	[tilespmem:$0x10200] =	vst v63  }
0xa6: {  	_ = 	snop  }
0xa7: {  	[hbm4b:s10+s2] =	stream.linear.scatter [tilespmem:s16], [sflag:$0x2], $0x2000, $0x38;
	[tilespmem:$0x10200] =	vst v63  }
0xa8: {  	_ = 	snop  }
0xa9: {  	[hbm4b:s11+s2] =	stream.linear.scatter [tilespmem:s17], [sflag:$0x2], $0x2000, $0x38;
	[tilespmem:$0x10200] =	vst v63  }
0xaa: {  	_ =	swait.ge [sflag:s7], $0x2000  }
0xab: {  	[sflag:s7] =	ssyncset.done $0x0  }
0xac: {  	[sflag:s7] =	ssyncadd.s32 $0xFFFFE000  }
0xad: {  	_ =	swait.ge [sflag:s7], $0x2000  }
0xae: {  	[sflag:s7] =	ssyncset.done $0x0  }
0xaf: {  	[sflag:s7] =	ssyncadd.s32 $0xFFFFE000  }
0xb0: {  	_ =	swait.ge [sflag:s7], $0x2000  }
0xb1: {  	[sflag:s7] =	ssyncset.done $0x0  }
0xb2: {  	[sflag:s7] =	ssyncadd.s32 $0xFFFFE000  }
0xb3: {  	_ =	swait.ge [sflag:s7], $0x2000  }
0xb4: {  	[sflag:s7] =	ssyncset.done $0x0  }
0xb5: {  	[sflag:s7] =	ssyncadd.s32 $0xFFFFE000  }
0xb6: {  	_ =	swait.ge [sflag:s7], $0x2000  }
0xb7: {  	[sflag:s7] =	ssyncset.done $0x0  }
0xb8: {  	[sflag:s7] =	ssyncadd.s32 $0xFFFFE000  }
0xb9: {  	_ =	swait.ge [sflag:s7], $0x2000  }
0xba: {  	[sflag:s7] =	ssyncset.done $0x0  }
0xbb: {  	p1 =	sne.s32 s31, $0x1;
	[sflag:s7] =	ssyncadd.s32 $0xFFFFE000  }
.Ltmp1:
0xbc: {  	_ =	swait.ge [sflag:s7], $0x2000;
	(pc) =	sbr.rel @!p1 .LBB2_2-.Ltmp1, $4  }
0xbd: {  	p0 =	por $0x1, $0x1;
	[sflag:s7] =	ssyncset.done $0x0  }
0xbe: {  	s28 =	simm.s32 $0x80;
	s1 =	sadd.s32 $0xFFFFFFFF, s31;
	[sflag:s7] =	ssyncadd.s32 $0xFFFFE000  }
0xbf: {  	s31 =	simm.s32 $0x180;
	s25 =	simm.s32 $0xC0;
	_ =	swait.ge [sflag:s7], $0x2000  }
0xc0: {  	s26 =	simm.s32 $0x1C0;
	s0 =	rddreg [dreg:$0xb];
	[sflag:s7] =	ssyncset.done $0x0  }
.LBB2_3:
0xc1: {  	[sflag:s7] =	ssyncadd.s32 $0xFFFFE000  }
0xc2: {  	[tilespmem:s2], [sflag:$0x3] =	stream.linear.gather [hbm4b:s0+s2], $0x100, $0x38;
	[tilespmem:$0x10200] =	vst v63  }
0xc3: {  	_ =	swait.ge [sflag:s30], $0x100  }
0xc4: {  	[sflag:s30] =	ssyncset.done $0x0  }
0xc5: {  	s24 =	rddreg [dreg:$0xc];
	[sflag:s30] =	ssyncadd.s32 $0xFFFFFF00  }
0xc6: {  	[tilespmem:s29], [sflag:$0x3] =	stream.linear.gather [hbm4b:s24+s2], $0x100, $0x38;
	[tilespmem:$0x10200] =	vst v63  }
0xc7: {  	_ =	swait.ge [sflag:s30], $0x100  }
0xc8: {  	[sflag:s30] =	ssyncset.done $0x0  }
0xc9: {  	[sflag:s30] =	ssyncadd.s32 $0xFFFFFF00  }
0xca: {  	[tilespmem:s19], [sflag:$0x1] =	stream.indirect.gather [hbm4b:s3+s23], $0x80, s2, s23, $0xb8;
	[tilespmem:$0x10200] =	vst v63  }
0xcb: {  	_ = 	snop  }
0xcc: {  	[tilespmem:s20], [sflag:$0x1] =	stream.indirect.gather [hbm4b:s4+s23], $0x80, s29, s23, $0xb8;
	[tilespmem:$0x10200] =	vst v63  }
0xcd: {  	_ = 	snop  }
0xce: {  	[tilespmem:s21], [sflag:$0x1] =	stream.indirect.gather [hbm4b:s5+s23], $0x80, s2, s23, $0xb8;
	[tilespmem:$0x10200] =	vst v63  }
0xcf: {  	_ = 	snop  }
0xd0: {  	[tilespmem:s22], [sflag:$0x1] =	stream.indirect.gather [hbm4b:s6+s23], $0x80, s29, s23, $0xb8;
	[tilespmem:$0x10200] =	vst v63  }
0xd1: {  	_ = 	snop  }
0xd2: {  	[tilespmem:s14], [sflag:$0x1] =	stream.indirect.gather [hbm4b:s3+s23], $0x80, s23, s23, $0xb8;
	[tilespmem:$0x10200] =	vst v63  }
0xd3: {  	s24 =	simm.s32 $0x140  }
0xd4: {  	[tilespmem:s15], [sflag:$0x1] =	stream.indirect.gather [hbm4b:s4+s23], $0x80, s24, s23, $0xb8;
	[tilespmem:$0x10200] =	vst v63  }
0xd5: {  	_ = 	snop  }
0xd6: {  	[tilespmem:s16], [sflag:$0x1] =	stream.indirect.gather [hbm4b:s5+s23], $0x80, s23, s23, $0xb8;
	[tilespmem:$0x10200] =	vst v63  }
0xd7: {  	_ = 	snop  }
0xd8: {  	[tilespmem:s17], [sflag:$0x1] =	stream.indirect.gather [hbm4b:s6+s23], $0x80, s24, s23, $0xb8;
	[tilespmem:$0x10200] =	vst v63  }
0xd9: {  	_ =	swait.ge [sflag:s18], $0x2000  }
0xda: {  	[sflag:s18] =	ssyncset.done $0x0  }
0xdb: {  	[sflag:s18] =	ssyncadd.s32 $0xFFFFE000  }
0xdc: {  	_ =	swait.ge [sflag:s18], $0x2000  }
0xdd: {  	[sflag:s18] =	ssyncset.done $0x0  }
0xde: {  	[sflag:s18] =	ssyncadd.s32 $0xFFFFE000  }
0xdf: {  	_ =	swait.ge [sflag:s18], $0x2000  }
0xe0: {  	[sflag:s18] =	ssyncset.done $0x0  }
0xe1: {  	[sflag:s18] =	ssyncadd.s32 $0xFFFFE000  }
0xe2: {  	s24 =	smov.u32 s13;
	_ =	swait.ge [sflag:s18], $0x2000  }
0xe3: {  	s13 =	smov.u32 s12;
	s12 =	smov.u32 s11;
	[sflag:s18] =	ssyncset.done $0x0  }
0xe4: {  	s11 =	smov.u32 s10;
	s0 =	rddreg [dreg:$0xd];
	[sflag:s18] =	ssyncadd.s32 $0xFFFFE000  }
0xe5: {  	[hbm4b:s0+s2] =	stream.linear.scatter [tilespmem:s19], [sflag:$0x2], $0x2000, $0x38;
	[tilespmem:$0x10200] =	vst v63  }
0xe6: {  	s10 =	smov.u32 s9;
	s9 =	smov.u32 s8;
	s8 =	rddreg [dreg:$0xe]  }
0xe7: {  	[hbm4b:s8+s2] =	stream.linear.scatter [tilespmem:s20], [sflag:$0x2], $0x2000, $0x38;
	[tilespmem:$0x10200] =	vst v63  }
0xe8: {  	s0 =	rddreg [dreg:$0xf]  }
0xe9: {  	[hbm4b:s0+s2] =	stream.linear.scatter [tilespmem:s21], [sflag:$0x2], $0x2000, $0x38;
	[tilespmem:$0x10200] =	vst v63  }
0xea: {  	s8 =	rddreg [dreg:$0x10]  }
0xeb: {  	[hbm4b:s8+s2] =	stream.linear.scatter [tilespmem:s22], [sflag:$0x2], $0x2000, $0x38;
	[tilespmem:$0x10200] =	vst v63  }
0xec: {  	_ =	swait.ge [sflag:s7], $0x2000  }
0xed: {  	[sflag:s7] =	ssyncset.done $0x0  }
0xee: {  	[sflag:s7] =	ssyncadd.s32 $0xFFFFE000  }
0xef: {  	_ =	swait.ge [sflag:s7], $0x2000  }
0xf0: {  	[sflag:s7] =	ssyncset.done $0x0  }
0xf1: {  	[sflag:s7] =	ssyncadd.s32 $0xFFFFE000  }
0xf2: {  	_ =	swait.ge [sflag:s7], $0x2000  }
0xf3: {  	[sflag:s7] =	ssyncset.done $0x0  }
0xf4: {  	[sflag:s7] =	ssyncadd.s32 $0xFFFFE000  }
0xf5: {  	_ =	swait.ge [sflag:s7], $0x2000  }
0xf6: {  	[sflag:s7] =	ssyncset.done $0x0  }
0xf7: {  	[sflag:s7] =	ssyncadd.s32 $0xFFFFE000  }
0xf8: {  	[tilespmem:s19], [sflag:$0x1] =	stream.indirect.gather [hbm4b:s3+s23], $0x80, s28, s23, $0xb8;
	[tilespmem:$0x10200] =	vst v63  }
0xf9: {  	_ = 	snop  }
0xfa: {  	[tilespmem:s20], [sflag:$0x1] =	stream.indirect.gather [hbm4b:s4+s23], $0x80, s31, s23, $0xb8;
	[tilespmem:$0x10200] =	vst v63  }
0xfb: {  	_ = 	snop  }
0xfc: {  	[tilespmem:s21], [sflag:$0x1] =	stream.indirect.gather [hbm4b:s5+s23], $0x80, s28, s23, $0xb8;
	[tilespmem:$0x10200] =	vst v63  }
0xfd: {  	_ = 	snop  }
0xfe: {  	[tilespmem:s22], [sflag:$0x1] =	stream.indirect.gather [hbm4b:s6+s23], $0x80, s31, s23, $0xb8;
	[tilespmem:$0x10200] =	vst v63  }
0xff: {  	_ =	swait.ge [sflag:s18], $0x2000  }
0x100: {  	[sflag:s18] =	ssyncset.done $0x0  }
0x101: {  	[sflag:s18] =	ssyncadd.s32 $0xFFFFE000  }
0x102: {  	_ =	swait.ge [sflag:s18], $0x2000  }
0x103: {  	[sflag:s18] =	ssyncset.done $0x0  }
0x104: {  	[sflag:s18] =	ssyncadd.s32 $0xFFFFE000  }
0x105: {  	_ =	swait.ge [sflag:s18], $0x2000  }
0x106: {  	[sflag:s18] =	ssyncset.done $0x0  }
0x107: {  	[sflag:s18] =	ssyncadd.s32 $0xFFFFE000  }
0x108: {  	_ =	swait.ge [sflag:s18], $0x2000  }
0x109: {  	[sflag:s18] =	ssyncset.done $0x0  }
0x10a: {  	s0 =	rddreg [dreg:$0x11];
	[sflag:s18] =	ssyncadd.s32 $0xFFFFE000  }
0x10b: {  	[hbm4b:s0+s2] =	stream.linear.scatter [tilespmem:s14], [sflag:$0x2], $0x2000, $0x38;
	[tilespmem:$0x10200] =	vst v63  }
0x10c: {  	s8 =	rddreg [dreg:$0x12]  }
0x10d: {  	[hbm4b:s8+s2] =	stream.linear.scatter [tilespmem:s15], [sflag:$0x2], $0x2000, $0x38;
	[tilespmem:$0x10200] =	vst v63  }
0x10e: {  	s0 =	rddreg [dreg:$0x13]  }
0x10f: {  	[hbm4b:s0+s2] =	stream.linear.scatter [tilespmem:s16], [sflag:$0x2], $0x2000, $0x38;
	[tilespmem:$0x10200] =	vst v63  }
0x110: {  	s8 =	rddreg [dreg:$0x14]  }
0x111: {  	[hbm4b:s8+s2] =	stream.linear.scatter [tilespmem:s17], [sflag:$0x2], $0x2000, $0x38;
	[tilespmem:$0x10200] =	vst v63  }
0x112: {  	_ =	swait.ge [sflag:s7], $0x2000  }
0x113: {  	[sflag:s7] =	ssyncset.done $0x0  }
0x114: {  	[sflag:s7] =	ssyncadd.s32 $0xFFFFE000  }
0x115: {  	_ =	swait.ge [sflag:s7], $0x2000  }
0x116: {  	[sflag:s7] =	ssyncset.done $0x0  }
0x117: {  	[sflag:s7] =	ssyncadd.s32 $0xFFFFE000  }
0x118: {  	_ =	swait.ge [sflag:s7], $0x2000  }
0x119: {  	[sflag:s7] =	ssyncset.done $0x0  }
0x11a: {  	[sflag:s7] =	ssyncadd.s32 $0xFFFFE000  }
0x11b: {  	_ =	swait.ge [sflag:s7], $0x2000  }
0x11c: {  	[sflag:s7] =	ssyncset.done $0x0  }
0x11d: {  	[sflag:s7] =	ssyncadd.s32 $0xFFFFE000  }
0x11e: {  	[tilespmem:s14], [sflag:$0x1] =	stream.indirect.gather [hbm4b:s3+s23], $0x80, s25, s23, $0xb8;
	[tilespmem:$0x10200] =	vst v63  }
0x11f: {  	_ = 	snop  }
0x120: {  	[tilespmem:s15], [sflag:$0x1] =	stream.indirect.gather [hbm4b:s4+s23], $0x80, s26, s23, $0xb8;
	[tilespmem:$0x10200] =	vst v63  }
0x121: {  	_ = 	snop  }
0x122: {  	[tilespmem:s16], [sflag:$0x1] =	stream.indirect.gather [hbm4b:s5+s23], $0x80, s25, s23, $0xb8;
	[tilespmem:$0x10200] =	vst v63  }
0x123: {  	_ = 	snop  }
0x124: {  	[tilespmem:s17], [sflag:$0x1] =	stream.indirect.gather [hbm4b:s6+s23], $0x80, s26, s23, $0xb8;
	[tilespmem:$0x10200] =	vst v63  }
0x125: {  	_ =	swait.ge [sflag:s18], $0x2000  }
0x126: {  	[sflag:s18] =	ssyncset.done $0x0  }
0x127: {  	[sflag:s18] =	ssyncadd.s32 $0xFFFFE000  }
0x128: {  	_ =	swait.ge [sflag:s18], $0x2000  }
0x129: {  	[sflag:s18] =	ssyncset.done $0x0  }
0x12a: {  	[sflag:s18] =	ssyncadd.s32 $0xFFFFE000  }
0x12b: {  	_ =	swait.ge [sflag:s18], $0x2000  }
0x12c: {  	[sflag:s18] =	ssyncset.done $0x0  }
0x12d: {  	[sflag:s18] =	ssyncadd.s32 $0xFFFFE000  }
0x12e: {  	_ =	swait.ge [sflag:s18], $0x2000  }
0x12f: {  	[sflag:s18] =	ssyncset.done $0x0  }
0x130: {  	s0 =	rddreg [dreg:$0x15];
	[sflag:s18] =	ssyncadd.s32 $0xFFFFE000  }
0x131: {  	[hbm4b:s0+s2] =	stream.linear.scatter [tilespmem:s19], [sflag:$0x2], $0x2000, $0x38;
	[tilespmem:$0x10200] =	vst v63  }
0x132: {  	s8 =	rddreg [dreg:$0x16]  }
0x133: {  	[hbm4b:s8+s2] =	stream.linear.scatter [tilespmem:s20], [sflag:$0x2], $0x2000, $0x38;
	[tilespmem:$0x10200] =	vst v63  }
0x134: {  	s8 =	smov.u32 s9;
	s9 =	smov.u32 s10  }
0x135: {  	s10 =	smov.u32 s11;
	s11 =	smov.u32 s12;
	s12 =	smov.u32 s13  }
0x136: {  	[hbm4b:s12+s2] =	stream.linear.scatter [tilespmem:s21], [sflag:$0x2], $0x2000, $0x38;
	[tilespmem:$0x10200] =	vst v63  }
0x137: {  	_ = 	snop  }
0x138: {  	[hbm4b:s24+s2] =	stream.linear.scatter [tilespmem:s22], [sflag:$0x2], $0x2000, $0x38;
	[tilespmem:$0x10200] =	vst v63  }
0x139: {  	_ =	swait.ge [sflag:s18], $0x2000  }
0x13a: {  	[sflag:s18] =	ssyncset.done $0x0  }
0x13b: {  	[sflag:s18] =	ssyncadd.s32 $0xFFFFE000  }
0x13c: {  	_ =	swait.ge [sflag:s18], $0x2000  }
0x13d: {  	[sflag:s18] =	ssyncset.done $0x0  }
0x13e: {  	[sflag:s18] =	ssyncadd.s32 $0xFFFFE000  }
0x13f: {  	_ =	swait.ge [sflag:s18], $0x2000  }
0x140: {  	[sflag:s18] =	ssyncset.done $0x0  }
0x141: {  	[sflag:s18] =	ssyncadd.s32 $0xFFFFE000  }
0x142: {  	_ =	swait.ge [sflag:s18], $0x2000  }
0x143: {  	[sflag:s18] =	ssyncset.done $0x0  }
0x144: {  	[sflag:s18] =	ssyncadd.s32 $0xFFFFE000  }
0x145: {  	[hbm4b:s8+s2] =	stream.linear.scatter [tilespmem:s14], [sflag:$0x2], $0x2000, $0x38;
	[tilespmem:$0x10200] =	vst v63  }
0x146: {  	_ = 	snop  }
0x147: {  	[hbm4b:s9+s2] =	stream.linear.scatter [tilespmem:s15], [sflag:$0x2], $0x2000, $0x38;
	[tilespmem:$0x10200] =	vst v63  }
0x148: {  	_ = 	snop  }
0x149: {  	[hbm4b:s10+s2] =	stream.linear.scatter [tilespmem:s16], [sflag:$0x2], $0x2000, $0x38;
	[tilespmem:$0x10200] =	vst v63  }
0x14a: {  	_ = 	snop  }
0x14b: {  	[hbm4b:s11+s2] =	stream.linear.scatter [tilespmem:s17], [sflag:$0x2], $0x2000, $0x38;
	[tilespmem:$0x10200] =	vst v63  }
0x14c: {  	_ =	swait.ge [sflag:s7], $0x2000  }
0x14d: {  	[sflag:s7] =	ssyncset.done $0x0  }
0x14e: {  	[sflag:s7] =	ssyncadd.s32 $0xFFFFE000  }
0x14f: {  	_ =	swait.ge [sflag:s7], $0x2000  }
0x150: {  	[sflag:s7] =	ssyncset.done $0x0  }
0x151: {  	[sflag:s7] =	ssyncadd.s32 $0xFFFFE000  }
0x152: {  	_ =	swait.ge [sflag:s7], $0x2000  }
0x153: {  	[sflag:s7] =	ssyncset.done $0x0  }
0x154: {  	[sflag:s7] =	ssyncadd.s32 $0xFFFFE000  }
0x155: {  	_ =	swait.ge [sflag:s7], $0x2000  }
0x156: {  	[sflag:s7] =	ssyncset.done $0x0  }
0x157: {  	[sflag:s7] =	ssyncadd.s32 $0xFFFFE000  }
0x158: {  	_ =	swait.ge [sflag:s7], $0x2000  }
0x159: {  	[sflag:s7] =	ssyncset.done $0x0  }
0x15a: {  	[sflag:s7] =	ssyncadd.s32 $0xFFFFE000  }
0x15b: {  	_ =	swait.ge [sflag:s7], $0x2000  }
0x15c: {  	[sflag:s7] =	ssyncset.done $0x0  }
0x15d: {  	p1 =	sne.s32 s1, $0x1;
	[sflag:s7] =	ssyncadd.s32 $0xFFFFE000  }
.Ltmp2:
0x15e: {  	_ =	swait.ge [sflag:s7], $0x2000;
	(pc) =	sbr.rel @p1 .LBB2_3-.Ltmp2, $4  }
0x15f: {  	[sflag:s7] =	ssyncset.done $0x0  }
0x160: {  	[sflag:s7] =	ssyncadd.s32 $0xFFFFE000  }
0x161: {  	s1 =	sadd.s32 $0xFFFFFFFF, s1;
	_ =	swait.ge [sflag:s7], $0x2000  }
0x162: {  	s13 =	smov.u32 s24;
	s0 =	rddreg [dreg:$0xb];
	[sflag:s7] =	ssyncset.done $0x0  }
0x163: {  	s24 =	simm.s32 $0xC0;
	s25 =	simm.s32 $0x1C0  }
0x164: {  	s26 =	simm.s32 $0x80;
	s28 =	simm.s32 $0x180;
	s1 =	simm.s32 $0x140  }
.LBB2_5:
0x165: {  	[sflag:s7] =	ssyncadd.s32 @p0 $0xFFFFE000  }
0x166: {  	[tilespmem:s2], [sflag:$0x3] =	stream.linear.gather [hbm4b:s0+s2], $0x100, $0x38;
	[tilespmem:$0x10200] =	vst v63  }
0x167: {  	_ =	swait.ge [sflag:s30], $0x100  }
0x168: {  	[sflag:s30] =	ssyncset.done $0x0  }
0x169: {  	s31 =	rddreg [dreg:$0xc];
	[sflag:s30] =	ssyncadd.s32 $0xFFFFFF00  }
0x16a: {  	[tilespmem:s29], [sflag:$0x3] =	stream.linear.gather [hbm4b:s31+s2], $0x100, $0x38;
	[tilespmem:$0x10200] =	vst v63  }
0x16b: {  	_ =	swait.ge [sflag:s30], $0x100  }
0x16c: {  	[sflag:s30] =	ssyncset.done $0x0  }
0x16d: {  	[sflag:s30] =	ssyncadd.s32 $0xFFFFFF00  }
0x16e: {  	[tilespmem:s19], [sflag:$0x1] =	stream.indirect.gather [hbm4b:s3+s23], $0x80, s2, s23, $0xb8;
	[tilespmem:$0x10200] =	vst v63  }
0x16f: {  	_ = 	snop  }
0x170: {  	[tilespmem:s20], [sflag:$0x1] =	stream.indirect.gather [hbm4b:s4+s23], $0x80, s29, s23, $0xb8;
	[tilespmem:$0x10200] =	vst v63  }
0x171: {  	_ = 	snop  }
0x172: {  	[tilespmem:s21], [sflag:$0x1] =	stream.indirect.gather [hbm4b:s5+s23], $0x80, s2, s23, $0xb8;
	[tilespmem:$0x10200] =	vst v63  }
0x173: {  	_ = 	snop  }
0x174: {  	[tilespmem:s22], [sflag:$0x1] =	stream.indirect.gather [hbm4b:s6+s23], $0x80, s29, s23, $0xb8;
	[tilespmem:$0x10200] =	vst v63  }
0x175: {  	_ = 	snop  }
0x176: {  	[tilespmem:s14], [sflag:$0x1] =	stream.indirect.gather [hbm4b:s3+s23], $0x80, s23, s23, $0xb8;
	[tilespmem:$0x10200] =	vst v63  }
0x177: {  	_ = 	snop  }
0x178: {  	[tilespmem:s15], [sflag:$0x1] =	stream.indirect.gather [hbm4b:s4+s23], $0x80, s1, s23, $0xb8;
	[tilespmem:$0x10200] =	vst v63  }
0x179: {  	_ = 	snop  }
0x17a: {  	[tilespmem:s16], [sflag:$0x1] =	stream.indirect.gather [hbm4b:s5+s23], $0x80, s23, s23, $0xb8;
	[tilespmem:$0x10200] =	vst v63  }
0x17b: {  	_ = 	snop  }
0x17c: {  	[tilespmem:s17], [sflag:$0x1] =	stream.indirect.gather [hbm4b:s6+s23], $0x80, s1, s23, $0xb8;
	[tilespmem:$0x10200] =	vst v63  }
0x17d: {  	_ =	swait.ge [sflag:s18], $0x2000  }
0x17e: {  	[sflag:s18] =	ssyncset.done $0x0  }
0x17f: {  	[sflag:s18] =	ssyncadd.s32 $0xFFFFE000  }
0x180: {  	_ =	swait.ge [sflag:s18], $0x2000  }
0x181: {  	[sflag:s18] =	ssyncset.done $0x0  }
0x182: {  	[sflag:s18] =	ssyncadd.s32 $0xFFFFE000  }
0x183: {  	_ =	swait.ge [sflag:s18], $0x2000  }
0x184: {  	[sflag:s18] =	ssyncset.done $0x0  }
0x185: {  	[sflag:s18] =	ssyncadd.s32 $0xFFFFE000  }
0x186: {  	_ =	swait.ge [sflag:s18], $0x2000  }
0x187: {  	[sflag:s18] =	ssyncset.done $0x0  }
0x188: {  	s29 =	rddreg [dreg:$0xd];
	[sflag:s18] =	ssyncadd.s32 $0xFFFFE000  }
0x189: {  	[hbm4b:s29+s2] =	stream.linear.scatter [tilespmem:s19], [sflag:$0x2], $0x2000, $0x38;
	[tilespmem:$0x10200] =	vst v63  }
0x18a: {  	s30 =	rddreg [dreg:$0xe]  }
0x18b: {  	[hbm4b:s30+s2] =	stream.linear.scatter [tilespmem:s20], [sflag:$0x2], $0x2000, $0x38;
	[tilespmem:$0x10200] =	vst v63  }
0x18c: {  	s31 =	rddreg [dreg:$0xf]  }
0x18d: {  	[hbm4b:s31+s2] =	stream.linear.scatter [tilespmem:s21], [sflag:$0x2], $0x2000, $0x38;
	[tilespmem:$0x10200] =	vst v63  }
0x18e: {  	s29 =	rddreg [dreg:$0x10]  }
0x18f: {  	[hbm4b:s29+s2] =	stream.linear.scatter [tilespmem:s22], [sflag:$0x2], $0x2000, $0x38;
	[tilespmem:$0x10200] =	vst v63  }
0x190: {  	_ =	swait.ge [sflag:s7], $0x2000  }
0x191: {  	[sflag:s7] =	ssyncset.done $0x0  }
0x192: {  	[sflag:s7] =	ssyncadd.s32 $0xFFFFE000  }
0x193: {  	_ =	swait.ge [sflag:s7], $0x2000  }
0x194: {  	[sflag:s7] =	ssyncset.done $0x0  }
0x195: {  	[sflag:s7] =	ssyncadd.s32 $0xFFFFE000  }
0x196: {  	_ =	swait.ge [sflag:s7], $0x2000  }
0x197: {  	[sflag:s7] =	ssyncset.done $0x0  }
0x198: {  	[sflag:s7] =	ssyncadd.s32 $0xFFFFE000  }
0x199: {  	_ =	swait.ge [sflag:s7], $0x2000  }
0x19a: {  	[sflag:s7] =	ssyncset.done $0x0  }
0x19b: {  	[sflag:s7] =	ssyncadd.s32 $0xFFFFE000  }
0x19c: {  	[tilespmem:s19], [sflag:$0x1] =	stream.indirect.gather [hbm4b:s3+s23], $0x80, s26, s23, $0xb8;
	[tilespmem:$0x10200] =	vst v63  }
0x19d: {  	_ = 	snop  }
0x19e: {  	[tilespmem:s20], [sflag:$0x1] =	stream.indirect.gather [hbm4b:s4+s23], $0x80, s28, s23, $0xb8;
	[tilespmem:$0x10200] =	vst v63  }
0x19f: {  	_ = 	snop  }
0x1a0: {  	[tilespmem:s21], [sflag:$0x1] =	stream.indirect.gather [hbm4b:s5+s23], $0x80, s26, s23, $0xb8;
	[tilespmem:$0x10200] =	vst v63  }
0x1a1: {  	_ = 	snop  }
0x1a2: {  	[tilespmem:s22], [sflag:$0x1] =	stream.indirect.gather [hbm4b:s6+s23], $0x80, s28, s23, $0xb8;
	[tilespmem:$0x10200] =	vst v63  }
0x1a3: {  	_ =	swait.ge [sflag:s18], $0x2000  }
0x1a4: {  	[sflag:s18] =	ssyncset.done $0x0  }
0x1a5: {  	[sflag:s18] =	ssyncadd.s32 $0xFFFFE000  }
0x1a6: {  	_ =	swait.ge [sflag:s18], $0x2000  }
0x1a7: {  	[sflag:s18] =	ssyncset.done $0x0  }
0x1a8: {  	[sflag:s18] =	ssyncadd.s32 $0xFFFFE000  }
0x1a9: {  	_ =	swait.ge [sflag:s18], $0x2000  }
0x1aa: {  	[sflag:s18] =	ssyncset.done $0x0  }
0x1ab: {  	[sflag:s18] =	ssyncadd.s32 $0xFFFFE000  }
0x1ac: {  	_ =	swait.ge [sflag:s18], $0x2000  }
0x1ad: {  	[sflag:s18] =	ssyncset.done $0x0  }
0x1ae: {  	s30 =	rddreg [dreg:$0x11];
	[sflag:s18] =	ssyncadd.s32 $0xFFFFE000  }
0x1af: {  	[hbm4b:s30+s2] =	stream.linear.scatter [tilespmem:s14], [sflag:$0x2], $0x2000, $0x38;
	[tilespmem:$0x10200] =	vst v63  }
0x1b0: {  	s31 =	rddreg [dreg:$0x12]  }
0x1b1: {  	[hbm4b:s31+s2] =	stream.linear.scatter [tilespmem:s15], [sflag:$0x2], $0x2000, $0x38;
	[tilespmem:$0x10200] =	vst v63  }
0x1b2: {  	s26 =	rddreg [dreg:$0x13]  }
0x1b3: {  	[hbm4b:s26+s2] =	stream.linear.scatter [tilespmem:s16], [sflag:$0x2], $0x2000, $0x38;
	[tilespmem:$0x10200] =	vst v63  }
0x1b4: {  	s28 =	rddreg [dreg:$0x14]  }
0x1b5: {  	[hbm4b:s28+s2] =	stream.linear.scatter [tilespmem:s17], [sflag:$0x2], $0x2000, $0x38;
	[tilespmem:$0x10200] =	vst v63  }
0x1b6: {  	_ =	swait.ge [sflag:s7], $0x2000  }
0x1b7: {  	[sflag:s7] =	ssyncset.done $0x0  }
0x1b8: {  	[sflag:s7] =	ssyncadd.s32 $0xFFFFE000  }
0x1b9: {  	_ =	swait.ge [sflag:s7], $0x2000  }
0x1ba: {  	[sflag:s7] =	ssyncset.done $0x0  }
0x1bb: {  	[sflag:s7] =	ssyncadd.s32 $0xFFFFE000  }
0x1bc: {  	_ =	swait.ge [sflag:s7], $0x2000  }
0x1bd: {  	[sflag:s7] =	ssyncset.done $0x0  }
0x1be: {  	[sflag:s7] =	ssyncadd.s32 $0xFFFFE000  }
0x1bf: {  	_ =	swait.ge [sflag:s7], $0x2000  }
0x1c0: {  	[sflag:s7] =	ssyncset.done $0x0  }
0x1c1: {  	[sflag:s7] =	ssyncadd.s32 $0xFFFFE000  }
0x1c2: {  	[tilespmem:s14], [sflag:$0x1] =	stream.indirect.gather [hbm4b:s3+s23], $0x80, s24, s23, $0xb8;
	[tilespmem:$0x10200] =	vst v63  }
0x1c3: {  	_ = 	snop  }
0x1c4: {  	[tilespmem:s15], [sflag:$0x1] =	stream.indirect.gather [hbm4b:s4+s23], $0x80, s25, s23, $0xb8;
	[tilespmem:$0x10200] =	vst v63  }
0x1c5: {  	_ = 	snop  }
0x1c6: {  	[tilespmem:s16], [sflag:$0x1] =	stream.indirect.gather [hbm4b:s5+s23], $0x80, s24, s23, $0xb8;
	[tilespmem:$0x10200] =	vst v63  }
0x1c7: {  	_ = 	snop  }
0x1c8: {  	[tilespmem:s17], [sflag:$0x1] =	stream.indirect.gather [hbm4b:s6+s23], $0x80, s25, s23, $0xb8;
	[tilespmem:$0x10200] =	vst v63  }
0x1c9: {  	_ =	swait.ge [sflag:s18], $0x2000  }
0x1ca: {  	[sflag:s18] =	ssyncset.done $0x0  }
0x1cb: {  	[sflag:s18] =	ssyncadd.s32 $0xFFFFE000  }
0x1cc: {  	_ =	swait.ge [sflag:s18], $0x2000  }
0x1cd: {  	[sflag:s18] =	ssyncset.done $0x0  }
0x1ce: {  	[sflag:s18] =	ssyncadd.s32 $0xFFFFE000  }
0x1cf: {  	_ =	swait.ge [sflag:s18], $0x2000  }
0x1d0: {  	[sflag:s18] =	ssyncset.done $0x0  }
0x1d1: {  	[sflag:s18] =	ssyncadd.s32 $0xFFFFE000  }
0x1d2: {  	_ =	swait.ge [sflag:s18], $0x2000  }
0x1d3: {  	[sflag:s18] =	ssyncset.done $0x0  }
0x1d4: {  	s29 =	rddreg [dreg:$0x15];
	[sflag:s18] =	ssyncadd.s32 $0xFFFFE000  }
0x1d5: {  	[hbm4b:s29+s2] =	stream.linear.scatter [tilespmem:s19], [sflag:$0x2], $0x2000, $0x38;
	[tilespmem:$0x10200] =	vst v63  }
0x1d6: {  	s30 =	rddreg [dreg:$0x16]  }
0x1d7: {  	[hbm4b:s30+s2] =	stream.linear.scatter [tilespmem:s20], [sflag:$0x2], $0x2000, $0x38;
	[tilespmem:$0x10200] =	vst v63  }
0x1d8: {  	_ = 	snop  }
0x1d9: {  	[hbm4b:s12+s2] =	stream.linear.scatter [tilespmem:s21], [sflag:$0x2], $0x2000, $0x38;
	[tilespmem:$0x10200] =	vst v63  }
0x1da: {  	_ = 	snop  }
0x1db: {  	[hbm4b:s13+s2] =	stream.linear.scatter [tilespmem:s22], [sflag:$0x2], $0x2000, $0x38;
	[tilespmem:$0x10200] =	vst v63  }
0x1dc: {  	_ =	swait.ge [sflag:s18], $0x2000  }
0x1dd: {  	[sflag:s18] =	ssyncset.done $0x0  }
0x1de: {  	[sflag:s18] =	ssyncadd.s32 $0xFFFFE000  }
0x1df: {  	_ =	swait.ge [sflag:s18], $0x2000  }
0x1e0: {  	[sflag:s18] =	ssyncset.done $0x0  }
0x1e1: {  	[sflag:s18] =	ssyncadd.s32 $0xFFFFE000  }
0x1e2: {  	_ =	swait.ge [sflag:s18], $0x2000  }
0x1e3: {  	[sflag:s18] =	ssyncset.done $0x0  }
0x1e4: {  	[sflag:s18] =	ssyncadd.s32 $0xFFFFE000  }
0x1e5: {  	_ =	swait.ge [sflag:s18], $0x2000  }
0x1e6: {  	[sflag:s18] =	ssyncset.done $0x0  }
0x1e7: {  	[sflag:s18] =	ssyncadd.s32 $0xFFFFE000  }
0x1e8: {  	[hbm4b:s8+s2] =	stream.linear.scatter [tilespmem:s14], [sflag:$0x2], $0x2000, $0x38;
	[tilespmem:$0x10200] =	vst v63  }
0x1e9: {  	_ = 	snop  }
0x1ea: {  	[hbm4b:s9+s2] =	stream.linear.scatter [tilespmem:s15], [sflag:$0x2], $0x2000, $0x38;
	[tilespmem:$0x10200] =	vst v63  }
0x1eb: {  	_ = 	snop  }
0x1ec: {  	[hbm4b:s10+s2] =	stream.linear.scatter [tilespmem:s16], [sflag:$0x2], $0x2000, $0x38;
	[tilespmem:$0x10200] =	vst v63  }
0x1ed: {  	_ = 	snop  }
0x1ee: {  	[hbm4b:s11+s2] =	stream.linear.scatter [tilespmem:s17], [sflag:$0x2], $0x2000, $0x38;
	[tilespmem:$0x10200] =	vst v63  }
0x1ef: {  	_ =	swait.ge [sflag:s7], $0x2000  }
0x1f0: {  	[sflag:s7] =	ssyncset.done $0x0  }
0x1f1: {  	[sflag:s7] =	ssyncadd.s32 $0xFFFFE000  }
0x1f2: {  	_ =	swait.ge [sflag:s7], $0x2000  }
0x1f3: {  	[sflag:s7] =	ssyncset.done $0x0  }
0x1f4: {  	[sflag:s7] =	ssyncadd.s32 $0xFFFFE000  }
0x1f5: {  	_ =	swait.ge [sflag:s7], $0x2000  }
0x1f6: {  	[sflag:s7] =	ssyncset.done $0x0  }
0x1f7: {  	[sflag:s7] =	ssyncadd.s32 $0xFFFFE000  }
0x1f8: {  	_ =	swait.ge [sflag:s7], $0x2000  }
0x1f9: {  	[sflag:s7] =	ssyncset.done $0x0  }
0x1fa: {  	[sflag:s7] =	ssyncadd.s32 $0xFFFFE000  }
0x1fb: {  	_ =	swait.ge [sflag:s7], $0x2000  }
0x1fc: {  	[sflag:s7] =	ssyncset.done $0x0  }
0x1fd: {  	[sflag:s7] =	ssyncadd.s32 $0xFFFFE000  }
0x1fe: {  	_ =	swait.ge [sflag:s7], $0x2000  }
0x1ff: {  	[sflag:s7] =	ssyncset.done $0x0  }
0x200: {  	[sflag:s7] =	ssyncadd.s32 $0xFFFFE000  }
0x201: {  	_ =	swait.ge [sflag:s7], $0x2000  }
0x202: {  	[sflag:s7] =	ssyncset.done $0x0  }
0x203: {  	[sflag:s7] =	ssyncadd.s32 $0xFFFFE000  }
0x204: {  	_ =	swait.ge [sflag:s7], $0x2000  }
0x205: {  	[sflag:s7] =	ssyncset.done $0x0  }
0x206: {  	[sflag:s7] =	ssyncadd.s32 $0xFFFFE000  }
0x207: {  	_ =	sfence.sel $0x180000  }
0x208: {  	[bflag:$0x0] =	sbarrier.arrive $0xFFFF  }
0x209: {  	_ =	strace $0x90000047  }
0x20a: {  	s31 =	stileid.u32;
	[bflag:$0x2] =	sbarrier.arrive $0xFFFF  }
0x20b: {  	p0 =	sne.s32 s31, $0x0;
	s0 =	rddreg [dreg:$0xa]  }
0x20c: {  	s0 =	sadd.s32 @!p0 $0x100000, s0  }
0x20d: {  	[sflag:s0] =	ssyncadd.tile.s32 @!p0 $0x1;
	_ =	shalt  }
.LBB2_2:
.Ltmp3:
0x20e: {  	(pc) =	sbr.rel .LBB2_5-.Ltmp3, $3  }
0x20f: {  	_ =	sdelay $0x1  }
0x210: {  	s24 =	simm.s32 $0xC0;
	s25 =	simm.s32 $0x1C0  }
0x211: {  	s26 =	simm.s32 $0x80;
	s28 =	simm.s32 $0x180;
	s1 =	simm.s32 $0x140  }
.Lfunc_end2:
_tile_overlayer_lowered:
.L_overlay_start_2:
0x212: {  	(tag) =	ssettag $0x2  }
0x213: {  	s0 =	rddreg [dreg:$0x0];
	s2 =	stileid.u32  }
0x214: {  	s1 =	rddreg [dreg:$0x1];
	p0 =	sne.s32 s2, $0x0  }
0x215: {  	s3 =	rddreg [dreg:$0x2];
	[bflag:$0x3] =	sbarrier.arrive $0xFFFF;
	s2 =	simm.s32 @!p0 $0x1C03  }
0x216: {  	[timem:s3], [sflag:s2] =	dma.local @!p0 [hbm:s0], s1  }
0x217: {  	s0 =	simm.s32 @!p0 $0x3  }
0x218: {  	_ =	swait.ge @!p0 [sflag:s0], s1  }
0x219: {  	s1 =	ssub.s32 @!p0 $0x0, s1;
	[sflag:s0] =	ssyncset.done @!p0 $0x0  }
0x21a: {  	[sflag:s0] =	ssyncadd.s32 @!p0 s1  }
0x21b: {  	[bflag:$0x3] =	sbarrier.arrive $0xFFFF  }
0x21c: {  	_ =	shalt  }

</sc_bundles>
